<compile_context>
chip_gen: v7x
topology: tpu7x:2x2x1
jax: 0.10.2.dev20260603
libtpu: 0.0.44.dev20260713+nightly
codegen_flags: <defaults>
</compile_context>

<pallas_src>
import functools

import jax
import jax.numpy as jnp
from jax import lax
from jax.experimental import pallas as pl
from jax.experimental.pallas import tpu as pltpu
from jax.experimental.pallas import tpu_sc as plsc

D = 128
NC = 2
NS = 16
NW = NC * NS

CHUNK = 128
NBUF = 4
GAHEAD = 3
SAHEAD = NBUF - GAHEAD


def _make_gather(n_flat):
    b_per_w = n_flat // NW
    n_chunks = b_per_w // CHUNK
    mesh = plsc.VectorSubcoreMesh(core_axis_name="c", subcore_axis_name="s")

    @functools.partial(
        pl.kernel,
        mesh=mesh,
        out_type=jax.ShapeDtypeStruct((n_flat, D), jnp.float32),
        scratch_types=[
            pltpu.VMEM((n_chunks, CHUNK), jnp.int32),
            pltpu.VMEM((NBUF, CHUNK, D), jnp.float32),
            pltpu.SemaphoreType.DMA,
            pltpu.SemaphoreType.DMA,
        ],
    )
    def gather_kernel(idx_hbm, table_hbm, out_hbm, idx_v, rows_v, g_sem, s_sem):
        wid = lax.axis_index("s") * NC + lax.axis_index("c")
        base = wid * b_per_w
        pltpu.sync_copy(idx_hbm.at[wid], idx_v)

        gathers = [
            pltpu.async_copy(table_hbm.at[idx_v.at[g]], rows_v.at[g % NBUF], g_sem)
            for g in range(min(GAHEAD, n_chunks))
        ]
        stores = []
        waited = -1
        for c in range(n_chunks):
            gathers[c].wait()
            g = c + GAHEAD
            if g < n_chunks:
                if c >= SAHEAD:
                    stores[c - SAHEAD].wait()
                    waited = c - SAHEAD
                gathers.append(
                    pltpu.async_copy(
                        table_hbm.at[idx_v.at[g]], rows_v.at[g % NBUF], g_sem
                    )
                )
            stores.append(
                pltpu.async_copy(
                    rows_v.at[c % NBUF], out_hbm.at[pl.ds(base + c * CHUNK, CHUNK)], s_sem
                )
            )
        for c in range(waited + 1, n_chunks):
            stores[c].wait()

    return gather_kernel


def kernel(input_ids, token_embedding):
    b, l = input_ids.shape
    n_flat = b * l
    idx = input_ids.reshape(NW, (n_flat // NW) // CHUNK, CHUNK).astype(jnp.int32)
    out = _make_gather(n_flat)(idx, token_embedding)
    return out.reshape(b, l, D)

# --- scband reference (transcript-rebuilt; emitter-appended) ---
"""Pipeline reference for scband-hybrid-embedding-6030134084212 (READ-ONLY COPY).

The authoritative reference and input builder live on the scoring server;
editing this copy changes nothing except your own understanding.
"""

import jax, jax.numpy as jnp
import numpy as np

VOCAB_SIZE = 100000
DIM = 128
BATCH = 4
SEQ_LEN = 8192

def setup_inputs(seed: int = 0) -> dict:
    key = jax.random.key(seed)
    k_idx, k_tab = jax.random.split(key)
    input_ids = jax.random.randint(k_idx, (BATCH, SEQ_LEN), 0, VOCAB_SIZE, dtype=jnp.int64 if jax.config.jax_enable_x64 else jnp.int32)
    token_embedding = jax.random.normal(k_tab, (VOCAB_SIZE, DIM), dtype=jnp.float32) * 0.02
    return {"input_ids": input_ids, "token_embedding": token_embedding}

def reference(input_ids, token_embedding):
    # HybridEmbedding.forward: token embedding lookup; use_pos_embedding=False;
    # dropout is identity in eval mode (p effectively inactive at inference).
    embeddings = jnp.take(token_embedding, input_ids, axis=0)  # (B, L, D)
    return embeddings

if __name__ == "__main__":
    import jax
    _d = setup_inputs()
    print(jax.jit(kernel)(*tuple(_d.values())))

</pallas_src>

<mosaic_0001>
#map = affine_map<(d0, d1) -> (0, 0, 0)>
#map1 = affine_map<(d0, d1) -> (0, 0)>
module attributes {stable_mosaic.version = 14 : i64} {
  func.func @gather_kernel(%arg0: i32, %arg1: i32, %arg2: memref<32x8x128xi32, #tpu.memory_space<hbm>>, %arg3: memref<100000x128xf32, #tpu.memory_space<hbm>>, %arg4: memref<32768x128xf32, #tpu.memory_space<hbm>>, %arg5: memref<8x128xi32, #tpu.memory_space<vmem>>, %arg6: memref<4x128x128xf32, #tpu.memory_space<vmem>>, %arg7: memref<!tpu.dma_semaphore, #tpu.memory_space<semaphore_mem>>, %arg8: memref<!tpu.dma_semaphore, #tpu.memory_space<semaphore_mem>>) attributes {dimension_semantics = [#tpu.dimension_semantics<core_parallel>, #tpu.dimension_semantics<subcore_parallel>], iteration_bounds = array<i64: 2, 16>, scalar_prefetch = 0 : i64, scratch_operands = 4 : i64, tpu.core_type = #tpu.core_type<sc_vector_subcore>, window_params = [{transform_indices = #map}, {transform_indices = #map1}, {transform_indices = #map1}]} {
    %mul3A = arith.constant 2 : i32
    %mul3A_0 = arith.muli %arg1, %mul3A : i32
    %add3A = arith.addi %mul3A_0, %arg0 : i32
    %mul3A_1 = arith.constant 1024 : i32
    %mul3A_2 = arith.muli %add3A, %mul3A_1 : i32
    "tpu.region"() ({
      %run_scoped3A = tpu.sem_alloc : memref<!tpu.dma_semaphore, #tpu.memory_space<semaphore_mem>>
      %dma_start3A_417 = arith.constant 0 : i32
      %dma_start3A_418 = arith.constant 0 : i32
      %dma_start3A_419 = tpu.memref_slice %arg2[%add3A, %dma_start3A_417, %dma_start3A_418] : memref<32x8x128xi32, #tpu.memory_space<hbm>> -> memref<1x8x128xi32, #tpu.memory_space<hbm>>
      %dma_start3A_420 = tpu.memref_squeeze %dma_start3A_419 : memref<1x8x128xi32, #tpu.memory_space<hbm>> -> memref<8x128xi32, #tpu.memory_space<hbm>>
      %dma_start3A_421 = arith.constant 0 : i32
      %dma_start3A_422 = arith.constant 0 : i32
      %dma_start3A_423 = tpu.memref_slice %arg2[%add3A, %dma_start3A_421, %dma_start3A_422] : memref<32x8x128xi32, #tpu.memory_space<hbm>> -> memref<1x8x128xi32, #tpu.memory_space<hbm>>
      %dma_start3A_424 = tpu.memref_squeeze %dma_start3A_423 : memref<1x8x128xi32, #tpu.memory_space<hbm>> -> memref<8x128xi32, #tpu.memory_space<hbm>>
      tpu.enqueue_dma source(%dma_start3A_424 : memref<8x128xi32, #tpu.memory_space<hbm>>) target(%arg5 : memref<8x128xi32, #tpu.memory_space<vmem>>) target_semaphore(%run_scoped3A : memref<!tpu.dma_semaphore, #tpu.memory_space<semaphore_mem>>)
      %dma_wait3A_425 = arith.constant 0 : i32
      %dma_wait3A_426 = arith.constant 0 : i32
      %dma_wait3A_427 = tpu.memref_slice %arg2[%add3A, %dma_wait3A_425, %dma_wait3A_426] : memref<32x8x128xi32, #tpu.memory_space<hbm>> -> memref<1x8x128xi32, #tpu.memory_space<hbm>>
      %dma_wait3A_428 = tpu.memref_squeeze %dma_wait3A_427 : memref<1x8x128xi32, #tpu.memory_space<hbm>> -> memref<8x128xi32, #tpu.memory_space<hbm>>
      %dma_wait3A_429 = arith.constant 0 : i32
      %dma_wait3A_430 = arith.constant 0 : i32
      %dma_wait3A_431 = tpu.memref_slice %arg2[%add3A, %dma_wait3A_429, %dma_wait3A_430] : memref<32x8x128xi32, #tpu.memory_space<hbm>> -> memref<1x8x128xi32, #tpu.memory_space<hbm>>
      %dma_wait3A_432 = tpu.memref_squeeze %dma_wait3A_431 : memref<1x8x128xi32, #tpu.memory_space<hbm>> -> memref<8x128xi32, #tpu.memory_space<hbm>>
      tpu.wait_dma2 semaphore(%run_scoped3A : memref<!tpu.dma_semaphore, #tpu.memory_space<semaphore_mem>>) src(%dma_wait3A_432 : memref<8x128xi32, #tpu.memory_space<hbm>>) dst(%arg5 : memref<8x128xi32, #tpu.memory_space<vmem>>)
      tpu.yield
    }) : () -> ()
    %dma_start3A = arith.constant 0 : i32
    %dma_start3A_3 = arith.constant 0 : i32
    %dma_start3A_4 = arith.constant 0 : i32
    %dma_start3A_5 = arith.constant 0 : i32
    %dma_start3A_6 = tpu.memref_slice %arg6[%dma_start3A_3, %dma_start3A_4, %dma_start3A_5] : memref<4x128x128xf32, #tpu.memory_space<vmem>> -> memref<1x128x128xf32, #tpu.memory_space<vmem>>
    %dma_start3A_7 = tpu.memref_squeeze %dma_start3A_6 : memref<1x128x128xf32, #tpu.memory_space<vmem>> -> memref<128x128xf32, #tpu.memory_space<vmem>>
    %dma_start3A_8 = arith.constant 0 : i32
    %dma_start3A_9 = tpu.memref_slice %arg5[%dma_start3A, %dma_start3A_8] : memref<8x128xi32, #tpu.memory_space<vmem>> -> memref<1x128xi32, #tpu.memory_space<vmem>>
    %dma_start3A_10 = tpu.memref_squeeze %dma_start3A_9 : memref<1x128xi32, #tpu.memory_space<vmem>> -> memref<128xi32, #tpu.memory_space<vmem>>
    %dma_start3A_11 = arith.constant 0 : i32
    %dma_start3A_12 = arith.constant 0 : i32
    %dma_start3A_13 = tpu.memref_slice %arg3[%dma_start3A_11, %dma_start3A_12] : memref<100000x128xf32, #tpu.memory_space<hbm>> -> memref<100000x128xf32, #tpu.memory_space<hbm>>
    tpu.enqueue_indirect_dma source(%dma_start3A_13 : memref<100000x128xf32, #tpu.memory_space<hbm>>) target(%dma_start3A_7 : memref<128x128xf32, #tpu.memory_space<vmem>>) offsets(%dma_start3A_10 : memref<128xi32, #tpu.memory_space<vmem>>) semaphore(%arg7 : memref<!tpu.dma_semaphore, #tpu.memory_space<semaphore_mem>>)
    %dma_start3A_14 = arith.constant 1 : i32
    %dma_start3A_15 = arith.constant 1 : i32
    %dma_start3A_16 = arith.constant 0 : i32
    %dma_start3A_17 = arith.constant 0 : i32
    %dma_start3A_18 = tpu.memref_slice %arg6[%dma_start3A_15, %dma_start3A_16, %dma_start3A_17] : memref<4x128x128xf32, #tpu.memory_space<vmem>> -> memref<1x128x128xf32, #tpu.memory_space<vmem>>
    %dma_start3A_19 = tpu.memref_squeeze %dma_start3A_18 : memref<1x128x128xf32, #tpu.memory_space<vmem>> -> memref<128x128xf32, #tpu.memory_space<vmem>>
    %dma_start3A_20 = arith.constant 0 : i32
    %dma_start3A_21 = tpu.memref_slice %arg5[%dma_start3A_14, %dma_start3A_20] : memref<8x128xi32, #tpu.memory_space<vmem>> -> memref<1x128xi32, #tpu.memory_space<vmem>>
    %dma_start3A_22 = tpu.memref_squeeze %dma_start3A_21 : memref<1x128xi32, #tpu.memory_space<vmem>> -> memref<128xi32, #tpu.memory_space<vmem>>
    %dma_start3A_23 = arith.constant 0 : i32
    %dma_start3A_24 = arith.constant 0 : i32
    %dma_start3A_25 = tpu.memref_slice %arg3[%dma_start3A_23, %dma_start3A_24] : memref<100000x128xf32, #tpu.memory_space<hbm>> -> memref<100000x128xf32, #tpu.memory_space<hbm>>
    tpu.enqueue_indirect_dma source(%dma_start3A_25 : memref<100000x128xf32, #tpu.memory_space<hbm>>) target(%dma_start3A_19 : memref<128x128xf32, #tpu.memory_space<vmem>>) offsets(%dma_start3A_22 : memref<128xi32, #tpu.memory_space<vmem>>) semaphore(%arg7 : memref<!tpu.dma_semaphore, #tpu.memory_space<semaphore_mem>>)
    %dma_start3A_26 = arith.constant 2 : i32
    %dma_start3A_27 = arith.constant 2 : i32
    %dma_start3A_28 = arith.constant 0 : i32
    %dma_start3A_29 = arith.constant 0 : i32
    %dma_start3A_30 = tpu.memref_slice %arg6[%dma_start3A_27, %dma_start3A_28, %dma_start3A_29] : memref<4x128x128xf32, #tpu.memory_space<vmem>> -> memref<1x128x128xf32, #tpu.memory_space<vmem>>
    %dma_start3A_31 = tpu.memref_squeeze %dma_start3A_30 : memref<1x128x128xf32, #tpu.memory_space<vmem>> -> memref<128x128xf32, #tpu.memory_space<vmem>>
    %dma_start3A_32 = arith.constant 0 : i32
    %dma_start3A_33 = tpu.memref_slice %arg5[%dma_start3A_26, %dma_start3A_32] : memref<8x128xi32, #tpu.memory_space<vmem>> -> memref<1x128xi32, #tpu.memory_space<vmem>>
    %dma_start3A_34 = tpu.memref_squeeze %dma_start3A_33 : memref<1x128xi32, #tpu.memory_space<vmem>> -> memref<128xi32, #tpu.memory_space<vmem>>
    %dma_start3A_35 = arith.constant 0 : i32
    %dma_start3A_36 = arith.constant 0 : i32
    %dma_start3A_37 = tpu.memref_slice %arg3[%dma_start3A_35, %dma_start3A_36] : memref<100000x128xf32, #tpu.memory_space<hbm>> -> memref<100000x128xf32, #tpu.memory_space<hbm>>
    tpu.enqueue_indirect_dma source(%dma_start3A_37 : memref<100000x128xf32, #tpu.memory_space<hbm>>) target(%dma_start3A_31 : memref<128x128xf32, #tpu.memory_space<vmem>>) offsets(%dma_start3A_34 : memref<128xi32, #tpu.memory_space<vmem>>) semaphore(%arg7 : memref<!tpu.dma_semaphore, #tpu.memory_space<semaphore_mem>>)
    %dma_wait3A = arith.constant 0 : i32
    %dma_wait3A_38 = arith.constant 0 : i32
    %dma_wait3A_39 = arith.constant 0 : i32
    %dma_wait3A_40 = arith.constant 0 : i32
    %dma_wait3A_41 = tpu.memref_slice %arg6[%dma_wait3A_38, %dma_wait3A_39, %dma_wait3A_40] : memref<4x128x128xf32, #tpu.memory_space<vmem>> -> memref<1x128x128xf32, #tpu.memory_space<vmem>>
    %dma_wait3A_42 = tpu.memref_squeeze %dma_wait3A_41 : memref<1x128x128xf32, #tpu.memory_space<vmem>> -> memref<128x128xf32, #tpu.memory_space<vmem>>
    %dma_wait3A_43 = arith.constant 0 : i32
    %dma_wait3A_44 = tpu.memref_slice %arg5[%dma_wait3A, %dma_wait3A_43] : memref<8x128xi32, #tpu.memory_space<vmem>> -> memref<1x128xi32, #tpu.memory_space<vmem>>
    %dma_wait3A_45 = tpu.memref_squeeze %dma_wait3A_44 : memref<1x128xi32, #tpu.memory_space<vmem>> -> memref<128xi32, #tpu.memory_space<vmem>>
    %dma_wait3A_46 = arith.constant 0 : i32
    %dma_wait3A_47 = arith.constant 0 : i32
    %dma_wait3A_48 = tpu.memref_slice %arg3[%dma_wait3A_46, %dma_wait3A_47] : memref<100000x128xf32, #tpu.memory_space<hbm>> -> memref<100000x128xf32, #tpu.memory_space<hbm>>
    tpu.wait_indirect_dma semaphore(%arg7 : memref<!tpu.dma_semaphore, #tpu.memory_space<semaphore_mem>>) src(%dma_wait3A_48 : memref<100000x128xf32, #tpu.memory_space<hbm>>) dst(%dma_wait3A_42 : memref<128x128xf32, #tpu.memory_space<vmem>>)
    %dma_start3A_49 = arith.constant 3 : i32
    %dma_start3A_50 = arith.constant 3 : i32
    %dma_start3A_51 = arith.constant 0 : i32
    %dma_start3A_52 = arith.constant 0 : i32
    %dma_start3A_53 = tpu.memref_slice %arg6[%dma_start3A_50, %dma_start3A_51, %dma_start3A_52] : memref<4x128x128xf32, #tpu.memory_space<vmem>> -> memref<1x128x128xf32, #tpu.memory_space<vmem>>
    %dma_start3A_54 = tpu.memref_squeeze %dma_start3A_53 : memref<1x128x128xf32, #tpu.memory_space<vmem>> -> memref<128x128xf32, #tpu.memory_space<vmem>>
    %dma_start3A_55 = arith.constant 0 : i32
    %dma_start3A_56 = tpu.memref_slice %arg5[%dma_start3A_49, %dma_start3A_55] : memref<8x128xi32, #tpu.memory_space<vmem>> -> memref<1x128xi32, #tpu.memory_space<vmem>>
    %dma_start3A_57 = tpu.memref_squeeze %dma_start3A_56 : memref<1x128xi32, #tpu.memory_space<vmem>> -> memref<128xi32, #tpu.memory_space<vmem>>
    %dma_start3A_58 = arith.constant 0 : i32
    %dma_start3A_59 = arith.constant 0 : i32
    %dma_start3A_60 = tpu.memref_slice %arg3[%dma_start3A_58, %dma_start3A_59] : memref<100000x128xf32, #tpu.memory_space<hbm>> -> memref<100000x128xf32, #tpu.memory_space<hbm>>
    tpu.enqueue_indirect_dma source(%dma_start3A_60 : memref<100000x128xf32, #tpu.memory_space<hbm>>) target(%dma_start3A_54 : memref<128x128xf32, #tpu.memory_space<vmem>>) offsets(%dma_start3A_57 : memref<128xi32, #tpu.memory_space<vmem>>) semaphore(%arg7 : memref<!tpu.dma_semaphore, #tpu.memory_space<semaphore_mem>>)
    %add3A_61 = arith.constant 0 : i32
    %add3A_62 = arith.addi %mul3A_2, %add3A_61 : i32
    %dma_start3A_63 = arith.constant 0 : i32
    %dma_start3A_64 = arith.constant 0 : i32
    %dma_start3A_65 = arith.constant 0 : i32
    %dma_start3A_66 = tpu.memref_slice %arg6[%dma_start3A_63, %dma_start3A_64, %dma_start3A_65] : memref<4x128x128xf32, #tpu.memory_space<vmem>> -> memref<1x128x128xf32, #tpu.memory_space<vmem>>
    %dma_start3A_67 = tpu.memref_squeeze %dma_start3A_66 : memref<1x128x128xf32, #tpu.memory_space<vmem>> -> memref<128x128xf32, #tpu.memory_space<vmem>>
    %dma_start3A_68 = arith.constant 0 : i32
    %dma_start3A_69 = tpu.memref_slice %arg4[%add3A_62, %dma_start3A_68] : memref<32768x128xf32, #tpu.memory_space<hbm>> -> memref<128x128xf32, #tpu.memory_space<hbm>>
    %dma_start3A_70 = arith.constant 0 : i32
    %dma_start3A_71 = tpu.memref_slice %arg4[%add3A_62, %dma_start3A_70] : memref<32768x128xf32, #tpu.memory_space<hbm>> -> memref<128x128xf32, #tpu.memory_space<hbm>>
    %dma_start3A_72 = arith.constant 0 : i32
    %dma_start3A_73 = arith.constant 0 : i32
    %dma_start3A_74 = tpu.memref_slice %arg6[%dma_start3A_63, %dma_start3A_72, %dma_start3A_73] : memref<4x128x128xf32, #tpu.memory_space<vmem>> -> memref<1x128x128xf32, #tpu.memory_space<vmem>>
    %dma_start3A_75 = tpu.memref_squeeze %dma_start3A_74 : memref<1x128x128xf32, #tpu.memory_space<vmem>> -> memref<128x128xf32, #tpu.memory_space<vmem>>
    tpu.enqueue_dma source(%dma_start3A_75 : memref<128x128xf32, #tpu.memory_space<vmem>>) target(%dma_start3A_71 : memref<128x128xf32, #tpu.memory_space<hbm>>) target_semaphore(%arg8 : memref<!tpu.dma_semaphore, #tpu.memory_space<semaphore_mem>>)
    %dma_wait3A_76 = arith.constant 1 : i32
    %dma_wait3A_77 = arith.constant 1 : i32
    %dma_wait3A_78 = arith.constant 0 : i32
    %dma_wait3A_79 = arith.constant 0 : i32
    %dma_wait3A_80 = tpu.memref_slice %arg6[%dma_wait3A_77, %dma_wait3A_78, %dma_wait3A_79] : memref<4x128x128xf32, #tpu.memory_space<vmem>> -> memref<1x128x128xf32, #tpu.memory_space<vmem>>
    %dma_wait3A_81 = tpu.memref_squeeze %dma_wait3A_80 : memref<1x128x128xf32, #tpu.memory_space<vmem>> -> memref<128x128xf32, #tpu.memory_space<vmem>>
    %dma_wait3A_82 = arith.constant 0 : i32
    %dma_wait3A_83 = tpu.memref_slice %arg5[%dma_wait3A_76, %dma_wait3A_82] : memref<8x128xi32, #tpu.memory_space<vmem>> -> memref<1x128xi32, #tpu.memory_space<vmem>>
    %dma_wait3A_84 = tpu.memref_squeeze %dma_wait3A_83 : memref<1x128xi32, #tpu.memory_space<vmem>> -> memref<128xi32, #tpu.memory_space<vmem>>
    %dma_wait3A_85 = arith.constant 0 : i32
    %dma_wait3A_86 = arith.constant 0 : i32
    %dma_wait3A_87 = tpu.memref_slice %arg3[%dma_wait3A_85, %dma_wait3A_86] : memref<100000x128xf32, #tpu.memory_space<hbm>> -> memref<100000x128xf32, #tpu.memory_space<hbm>>
    tpu.wait_indirect_dma semaphore(%arg7 : memref<!tpu.dma_semaphore, #tpu.memory_space<semaphore_mem>>) src(%dma_wait3A_87 : memref<100000x128xf32, #tpu.memory_space<hbm>>) dst(%dma_wait3A_81 : memref<128x128xf32, #tpu.memory_space<vmem>>)
    %dma_wait3A_88 = arith.constant 0 : i32
    %dma_wait3A_89 = arith.constant 0 : i32
    %dma_wait3A_90 = arith.constant 0 : i32
    %dma_wait3A_91 = tpu.memref_slice %arg6[%dma_wait3A_88, %dma_wait3A_89, %dma_wait3A_90] : memref<4x128x128xf32, #tpu.memory_space<vmem>> -> memref<1x128x128xf32, #tpu.memory_space<vmem>>
    %dma_wait3A_92 = tpu.memref_squeeze %dma_wait3A_91 : memref<1x128x128xf32, #tpu.memory_space<vmem>> -> memref<128x128xf32, #tpu.memory_space<vmem>>
    %dma_wait3A_93 = arith.constant 0 : i32
    %dma_wait3A_94 = tpu.memref_slice %arg4[%add3A_62, %dma_wait3A_93] : memref<32768x128xf32, #tpu.memory_space<hbm>> -> memref<128x128xf32, #tpu.memory_space<hbm>>
    %dma_wait3A_95 = arith.constant 0 : i32
    %dma_wait3A_96 = tpu.memref_slice %arg4[%add3A_62, %dma_wait3A_95] : memref<32768x128xf32, #tpu.memory_space<hbm>> -> memref<128x128xf32, #tpu.memory_space<hbm>>
    %dma_wait3A_97 = arith.constant 0 : i32
    %dma_wait3A_98 = arith.constant 0 : i32
    %dma_wait3A_99 = tpu.memref_slice %arg6[%dma_wait3A_88, %dma_wait3A_97, %dma_wait3A_98] : memref<4x128x128xf32, #tpu.memory_space<vmem>> -> memref<1x128x128xf32, #tpu.memory_space<vmem>>
    %dma_wait3A_100 = tpu.memref_squeeze %dma_wait3A_99 : memref<1x128x128xf32, #tpu.memory_space<vmem>> -> memref<128x128xf32, #tpu.memory_space<vmem>>
    tpu.wait_dma2 semaphore(%arg8 : memref<!tpu.dma_semaphore, #tpu.memory_space<semaphore_mem>>) src(%dma_wait3A_100 : memref<128x128xf32, #tpu.memory_space<vmem>>) dst(%dma_wait3A_96 : memref<128x128xf32, #tpu.memory_space<hbm>>)
    %dma_start3A_101 = arith.constant 4 : i32
    %dma_start3A_102 = arith.constant 0 : i32
    %dma_start3A_103 = arith.constant 0 : i32
    %dma_start3A_104 = arith.constant 0 : i32
    %dma_start3A_105 = tpu.memref_slice %arg6[%dma_start3A_102, %dma_start3A_103, %dma_start3A_104] : memref<4x128x128xf32, #tpu.memory_space<vmem>> -> memref<1x128x128xf32, #tpu.memory_space<vmem>>
    %dma_start3A_106 = tpu.memref_squeeze %dma_start3A_105 : memref<1x128x128xf32, #tpu.memory_space<vmem>> -> memref<128x128xf32, #tpu.memory_space<vmem>>
    %dma_start3A_107 = arith.constant 0 : i32
    %dma_start3A_108 = tpu.memref_slice %arg5[%dma_start3A_101, %dma_start3A_107] : memref<8x128xi32, #tpu.memory_space<vmem>> -> memref<1x128xi32, #tpu.memory_space<vmem>>
    %dma_start3A_109 = tpu.memref_squeeze %dma_start3A_108 : memref<1x128xi32, #tpu.memory_space<vmem>> -> memref<128xi32, #tpu.memory_space<vmem>>
    %dma_start3A_110 = arith.constant 0 : i32
    %dma_start3A_111 = arith.constant 0 : i32
    %dma_start3A_112 = tpu.memref_slice %arg3[%dma_start3A_110, %dma_start3A_111] : memref<100000x128xf32, #tpu.memory_space<hbm>> -> memref<100000x128xf32, #tpu.memory_space<hbm>>
    tpu.enqueue_indirect_dma source(%dma_start3A_112 : memref<100000x128xf32, #tpu.memory_space<hbm>>) target(%dma_start3A_106 : memref<128x128xf32, #tpu.memory_space<vmem>>) offsets(%dma_start3A_109 : memref<128xi32, #tpu.memory_space<vmem>>) semaphore(%arg7 : memref<!tpu.dma_semaphore, #tpu.memory_space<semaphore_mem>>)
    %add3A_113 = arith.constant 128 : i32
    %add3A_114 = arith.addi %mul3A_2, %add3A_113 : i32
    %dma_start3A_115 = arith.constant 1 : i32
    %dma_start3A_116 = arith.constant 0 : i32
    %dma_start3A_117 = arith.constant 0 : i32
    %dma_start3A_118 = tpu.memref_slice %arg6[%dma_start3A_115, %dma_start3A_116, %dma_start3A_117] : memref<4x128x128xf32, #tpu.memory_space<vmem>> -> memref<1x128x128xf32, #tpu.memory_space<vmem>>
    %dma_start3A_119 = tpu.memref_squeeze %dma_start3A_118 : memref<1x128x128xf32, #tpu.memory_space<vmem>> -> memref<128x128xf32, #tpu.memory_space<vmem>>
    %dma_start3A_120 = arith.constant 0 : i32
    %dma_start3A_121 = tpu.memref_slice %arg4[%add3A_114, %dma_start3A_120] : memref<32768x128xf32, #tpu.memory_space<hbm>> -> memref<128x128xf32, #tpu.memory_space<hbm>>
    %dma_start3A_122 = arith.constant 0 : i32
    %dma_start3A_123 = tpu.memref_slice %arg4[%add3A_114, %dma_start3A_122] : memref<32768x128xf32, #tpu.memory_space<hbm>> -> memref<128x128xf32, #tpu.memory_space<hbm>>
    %dma_start3A_124 = arith.constant 0 : i32
    %dma_start3A_125 = arith.constant 0 : i32
    %dma_start3A_126 = tpu.memref_slice %arg6[%dma_start3A_115, %dma_start3A_124, %dma_start3A_125] : memref<4x128x128xf32, #tpu.memory_space<vmem>> -> memref<1x128x128xf32, #tpu.memory_space<vmem>>
    %dma_start3A_127 = tpu.memref_squeeze %dma_start3A_126 : memref<1x128x128xf32, #tpu.memory_space<vmem>> -> memref<128x128xf32, #tpu.memory_space<vmem>>
    tpu.enqueue_dma source(%dma_start3A_127 : memref<128x128xf32, #tpu.memory_space<vmem>>) target(%dma_start3A_123 : memref<128x128xf32, #tpu.memory_space<hbm>>) target_semaphore(%arg8 : memref<!tpu.dma_semaphore, #tpu.memory_space<semaphore_mem>>)
    %dma_wait3A_128 = arith.constant 2 : i32
    %dma_wait3A_129 = arith.constant 2 : i32
    %dma_wait3A_130 = arith.constant 0 : i32
    %dma_wait3A_131 = arith.constant 0 : i32
    %dma_wait3A_132 = tpu.memref_slice %arg6[%dma_wait3A_129, %dma_wait3A_130, %dma_wait3A_131] : memref<4x128x128xf32, #tpu.memory_space<vmem>> -> memref<1x128x128xf32, #tpu.memory_space<vmem>>
    %dma_wait3A_133 = tpu.memref_squeeze %dma_wait3A_132 : memref<1x128x128xf32, #tpu.memory_space<vmem>> -> memref<128x128xf32, #tpu.memory_space<vmem>>
    %dma_wait3A_134 = arith.constant 0 : i32
    %dma_wait3A_135 = tpu.memref_slice %arg5[%dma_wait3A_128, %dma_wait3A_134] : memref<8x128xi32, #tpu.memory_space<vmem>> -> memref<1x128xi32, #tpu.memory_space<vmem>>
    %dma_wait3A_136 = tpu.memref_squeeze %dma_wait3A_135 : memref<1x128xi32, #tpu.memory_space<vmem>> -> memref<128xi32, #tpu.memory_space<vmem>>
    %dma_wait3A_137 = arith.constant 0 : i32
    %dma_wait3A_138 = arith.constant 0 : i32
    %dma_wait3A_139 = tpu.memref_slice %arg3[%dma_wait3A_137, %dma_wait3A_138] : memref<100000x128xf32, #tpu.memory_space<hbm>> -> memref<100000x128xf32, #tpu.memory_space<hbm>>
    tpu.wait_indirect_dma semaphore(%arg7 : memref<!tpu.dma_semaphore, #tpu.memory_space<semaphore_mem>>) src(%dma_wait3A_139 : memref<100000x128xf32, #tpu.memory_space<hbm>>) dst(%dma_wait3A_133 : memref<128x128xf32, #tpu.memory_space<vmem>>)
    %dma_wait3A_140 = arith.constant 1 : i32
    %dma_wait3A_141 = arith.constant 0 : i32
    %dma_wait3A_142 = arith.constant 0 : i32
    %dma_wait3A_143 = tpu.memref_slice %arg6[%dma_wait3A_140, %dma_wait3A_141, %dma_wait3A_142] : memref<4x128x128xf32, #tpu.memory_space<vmem>> -> memref<1x128x128xf32, #tpu.memory_space<vmem>>
    %dma_wait3A_144 = tpu.memref_squeeze %dma_wait3A_143 : memref<1x128x128xf32, #tpu.memory_space<vmem>> -> memref<128x128xf32, #tpu.memory_space<vmem>>
    %dma_wait3A_145 = arith.constant 0 : i32
    %dma_wait3A_146 = tpu.memref_slice %arg4[%add3A_114, %dma_wait3A_145] : memref<32768x128xf32, #tpu.memory_space<hbm>> -> memref<128x128xf32, #tpu.memory_space<hbm>>
    %dma_wait3A_147 = arith.constant 0 : i32
    %dma_wait3A_148 = tpu.memref_slice %arg4[%add3A_114, %dma_wait3A_147] : memref<32768x128xf32, #tpu.memory_space<hbm>> -> memref<128x128xf32, #tpu.memory_space<hbm>>
    %dma_wait3A_149 = arith.constant 0 : i32
    %dma_wait3A_150 = arith.constant 0 : i32
    %dma_wait3A_151 = tpu.memref_slice %arg6[%dma_wait3A_140, %dma_wait3A_149, %dma_wait3A_150] : memref<4x128x128xf32, #tpu.memory_space<vmem>> -> memref<1x128x128xf32, #tpu.memory_space<vmem>>
    %dma_wait3A_152 = tpu.memref_squeeze %dma_wait3A_151 : memref<1x128x128xf32, #tpu.memory_space<vmem>> -> memref<128x128xf32, #tpu.memory_space<vmem>>
    tpu.wait_dma2 semaphore(%arg8 : memref<!tpu.dma_semaphore, #tpu.memory_space<semaphore_mem>>) src(%dma_wait3A_152 : memref<128x128xf32, #tpu.memory_space<vmem>>) dst(%dma_wait3A_148 : memref<128x128xf32, #tpu.memory_space<hbm>>)
    %dma_start3A_153 = arith.constant 5 : i32
    %dma_start3A_154 = arith.constant 1 : i32
    %dma_start3A_155 = arith.constant 0 : i32
    %dma_start3A_156 = arith.constant 0 : i32
    %dma_start3A_157 = tpu.memref_slice %arg6[%dma_start3A_154, %dma_start3A_155, %dma_start3A_156] : memref<4x128x128xf32, #tpu.memory_space<vmem>> -> memref<1x128x128xf32, #tpu.memory_space<vmem>>
    %dma_start3A_158 = tpu.memref_squeeze %dma_start3A_157 : memref<1x128x128xf32, #tpu.memory_space<vmem>> -> memref<128x128xf32, #tpu.memory_space<vmem>>
    %dma_start3A_159 = arith.constant 0 : i32
    %dma_start3A_160 = tpu.memref_slice %arg5[%dma_start3A_153, %dma_start3A_159] : memref<8x128xi32, #tpu.memory_space<vmem>> -> memref<1x128xi32, #tpu.memory_space<vmem>>
    %dma_start3A_161 = tpu.memref_squeeze %dma_start3A_160 : memref<1x128xi32, #tpu.memory_space<vmem>> -> memref<128xi32, #tpu.memory_space<vmem>>
    %dma_start3A_162 = arith.constant 0 : i32
    %dma_start3A_163 = arith.constant 0 : i32
    %dma_start3A_164 = tpu.memref_slice %arg3[%dma_start3A_162, %dma_start3A_163] : memref<100000x128xf32, #tpu.memory_space<hbm>> -> memref<100000x128xf32, #tpu.memory_space<hbm>>
    tpu.enqueue_indirect_dma source(%dma_start3A_164 : memref<100000x128xf32, #tpu.memory_space<hbm>>) target(%dma_start3A_158 : memref<128x128xf32, #tpu.memory_space<vmem>>) offsets(%dma_start3A_161 : memref<128xi32, #tpu.memory_space<vmem>>) semaphore(%arg7 : memref<!tpu.dma_semaphore, #tpu.memory_space<semaphore_mem>>)
    %add3A_165 = arith.constant 256 : i32
    %add3A_166 = arith.addi %mul3A_2, %add3A_165 : i32
    %dma_start3A_167 = arith.constant 2 : i32
    %dma_start3A_168 = arith.constant 0 : i32
    %dma_start3A_169 = arith.constant 0 : i32
    %dma_start3A_170 = tpu.memref_slice %arg6[%dma_start3A_167, %dma_start3A_168, %dma_start3A_169] : memref<4x128x128xf32, #tpu.memory_space<vmem>> -> memref<1x128x128xf32, #tpu.memory_space<vmem>>
    %dma_start3A_171 = tpu.memref_squeeze %dma_start3A_170 : memref<1x128x128xf32, #tpu.memory_space<vmem>> -> memref<128x128xf32, #tpu.memory_space<vmem>>
    %dma_start3A_172 = arith.constant 0 : i32
    %dma_start3A_173 = tpu.memref_slice %arg4[%add3A_166, %dma_start3A_172] : memref<32768x128xf32, #tpu.memory_space<hbm>> -> memref<128x128xf32, #tpu.memory_space<hbm>>
    %dma_start3A_174 = arith.constant 0 : i32
    %dma_start3A_175 = tpu.memref_slice %arg4[%add3A_166, %dma_start3A_174] : memref<32768x128xf32, #tpu.memory_space<hbm>> -> memref<128x128xf32, #tpu.memory_space<hbm>>
    %dma_start3A_176 = arith.constant 0 : i32
    %dma_start3A_177 = arith.constant 0 : i32
    %dma_start3A_178 = tpu.memref_slice %arg6[%dma_start3A_167, %dma_start3A_176, %dma_start3A_177] : memref<4x128x128xf32, #tpu.memory_space<vmem>> -> memref<1x128x128xf32, #tpu.memory_space<vmem>>
    %dma_start3A_179 = tpu.memref_squeeze %dma_start3A_178 : memref<1x128x128xf32, #tpu.memory_space<vmem>> -> memref<128x128xf32, #tpu.memory_space<vmem>>
    tpu.enqueue_dma source(%dma_start3A_179 : memref<128x128xf32, #tpu.memory_space<vmem>>) target(%dma_start3A_175 : memref<128x128xf32, #tpu.memory_space<hbm>>) target_semaphore(%arg8 : memref<!tpu.dma_semaphore, #tpu.memory_space<semaphore_mem>>)
    %dma_wait3A_180 = arith.constant 3 : i32
    %dma_wait3A_181 = arith.constant 3 : i32
    %dma_wait3A_182 = arith.constant 0 : i32
    %dma_wait3A_183 = arith.constant 0 : i32
    %dma_wait3A_184 = tpu.memref_slice %arg6[%dma_wait3A_181, %dma_wait3A_182, %dma_wait3A_183] : memref<4x128x128xf32, #tpu.memory_space<vmem>> -> memref<1x128x128xf32, #tpu.memory_space<vmem>>
    %dma_wait3A_185 = tpu.memref_squeeze %dma_wait3A_184 : memref<1x128x128xf32, #tpu.memory_space<vmem>> -> memref<128x128xf32, #tpu.memory_space<vmem>>
    %dma_wait3A_186 = arith.constant 0 : i32
    %dma_wait3A_187 = tpu.memref_slice %arg5[%dma_wait3A_180, %dma_wait3A_186] : memref<8x128xi32, #tpu.memory_space<vmem>> -> memref<1x128xi32, #tpu.memory_space<vmem>>
    %dma_wait3A_188 = tpu.memref_squeeze %dma_wait3A_187 : memref<1x128xi32, #tpu.memory_space<vmem>> -> memref<128xi32, #tpu.memory_space<vmem>>
    %dma_wait3A_189 = arith.constant 0 : i32
    %dma_wait3A_190 = arith.constant 0 : i32
    %dma_wait3A_191 = tpu.memref_slice %arg3[%dma_wait3A_189, %dma_wait3A_190] : memref<100000x128xf32, #tpu.memory_space<hbm>> -> memref<100000x128xf32, #tpu.memory_space<hbm>>
    tpu.wait_indirect_dma semaphore(%arg7 : memref<!tpu.dma_semaphore, #tpu.memory_space<semaphore_mem>>) src(%dma_wait3A_191 : memref<100000x128xf32, #tpu.memory_space<hbm>>) dst(%dma_wait3A_185 : memref<128x128xf32, #tpu.memory_space<vmem>>)
    %dma_wait3A_192 = arith.constant 2 : i32
    %dma_wait3A_193 = arith.constant 0 : i32
    %dma_wait3A_194 = arith.constant 0 : i32
    %dma_wait3A_195 = tpu.memref_slice %arg6[%dma_wait3A_192, %dma_wait3A_193, %dma_wait3A_194] : memref<4x128x128xf32, #tpu.memory_space<vmem>> -> memref<1x128x128xf32, #tpu.memory_space<vmem>>
    %dma_wait3A_196 = tpu.memref_squeeze %dma_wait3A_195 : memref<1x128x128xf32, #tpu.memory_space<vmem>> -> memref<128x128xf32, #tpu.memory_space<vmem>>
    %dma_wait3A_197 = arith.constant 0 : i32
    %dma_wait3A_198 = tpu.memref_slice %arg4[%add3A_166, %dma_wait3A_197] : memref<32768x128xf32, #tpu.memory_space<hbm>> -> memref<128x128xf32, #tpu.memory_space<hbm>>
    %dma_wait3A_199 = arith.constant 0 : i32
    %dma_wait3A_200 = tpu.memref_slice %arg4[%add3A_166, %dma_wait3A_199] : memref<32768x128xf32, #tpu.memory_space<hbm>> -> memref<128x128xf32, #tpu.memory_space<hbm>>
    %dma_wait3A_201 = arith.constant 0 : i32
    %dma_wait3A_202 = arith.constant 0 : i32
    %dma_wait3A_203 = tpu.memref_slice %arg6[%dma_wait3A_192, %dma_wait3A_201, %dma_wait3A_202] : memref<4x128x128xf32, #tpu.memory_space<vmem>> -> memref<1x128x128xf32, #tpu.memory_space<vmem>>
    %dma_wait3A_204 = tpu.memref_squeeze %dma_wait3A_203 : memref<1x128x128xf32, #tpu.memory_space<vmem>> -> memref<128x128xf32, #tpu.memory_space<vmem>>
    tpu.wait_dma2 semaphore(%arg8 : memref<!tpu.dma_semaphore, #tpu.memory_space<semaphore_mem>>) src(%dma_wait3A_204 : memref<128x128xf32, #tpu.memory_space<vmem>>) dst(%dma_wait3A_200 : memref<128x128xf32, #tpu.memory_space<hbm>>)
    %dma_start3A_205 = arith.constant 6 : i32
    %dma_start3A_206 = arith.constant 2 : i32
    %dma_start3A_207 = arith.constant 0 : i32
    %dma_start3A_208 = arith.constant 0 : i32
    %dma_start3A_209 = tpu.memref_slice %arg6[%dma_start3A_206, %dma_start3A_207, %dma_start3A_208] : memref<4x128x128xf32, #tpu.memory_space<vmem>> -> memref<1x128x128xf32, #tpu.memory_space<vmem>>
    %dma_start3A_210 = tpu.memref_squeeze %dma_start3A_209 : memref<1x128x128xf32, #tpu.memory_space<vmem>> -> memref<128x128xf32, #tpu.memory_space<vmem>>
    %dma_start3A_211 = arith.constant 0 : i32
    %dma_start3A_212 = tpu.memref_slice %arg5[%dma_start3A_205, %dma_start3A_211] : memref<8x128xi32, #tpu.memory_space<vmem>> -> memref<1x128xi32, #tpu.memory_space<vmem>>
    %dma_start3A_213 = tpu.memref_squeeze %dma_start3A_212 : memref<1x128xi32, #tpu.memory_space<vmem>> -> memref<128xi32, #tpu.memory_space<vmem>>
    %dma_start3A_214 = arith.constant 0 : i32
    %dma_start3A_215 = arith.constant 0 : i32
    %dma_start3A_216 = tpu.memref_slice %arg3[%dma_start3A_214, %dma_start3A_215] : memref<100000x128xf32, #tpu.memory_space<hbm>> -> memref<100000x128xf32, #tpu.memory_space<hbm>>
    tpu.enqueue_indirect_dma source(%dma_start3A_216 : memref<100000x128xf32, #tpu.memory_space<hbm>>) target(%dma_start3A_210 : memref<128x128xf32, #tpu.memory_space<vmem>>) offsets(%dma_start3A_213 : memref<128xi32, #tpu.memory_space<vmem>>) semaphore(%arg7 : memref<!tpu.dma_semaphore, #tpu.memory_space<semaphore_mem>>)
    %add3A_217 = arith.constant 384 : i32
    %add3A_218 = arith.addi %mul3A_2, %add3A_217 : i32
    %dma_start3A_219 = arith.constant 3 : i32
    %dma_start3A_220 = arith.constant 0 : i32
    %dma_start3A_221 = arith.constant 0 : i32
    %dma_start3A_222 = tpu.memref_slice %arg6[%dma_start3A_219, %dma_start3A_220, %dma_start3A_221] : memref<4x128x128xf32, #tpu.memory_space<vmem>> -> memref<1x128x128xf32, #tpu.memory_space<vmem>>
    %dma_start3A_223 = tpu.memref_squeeze %dma_start3A_222 : memref<1x128x128xf32, #tpu.memory_space<vmem>> -> memref<128x128xf32, #tpu.memory_space<vmem>>
    %dma_start3A_224 = arith.constant 0 : i32
    %dma_start3A_225 = tpu.memref_slice %arg4[%add3A_218, %dma_start3A_224] : memref<32768x128xf32, #tpu.memory_space<hbm>> -> memref<128x128xf32, #tpu.memory_space<hbm>>
    %dma_start3A_226 = arith.constant 0 : i32
    %dma_start3A_227 = tpu.memref_slice %arg4[%add3A_218, %dma_start3A_226] : memref<32768x128xf32, #tpu.memory_space<hbm>> -> memref<128x128xf32, #tpu.memory_space<hbm>>
    %dma_start3A_228 = arith.constant 0 : i32
    %dma_start3A_229 = arith.constant 0 : i32
    %dma_start3A_230 = tpu.memref_slice %arg6[%dma_start3A_219, %dma_start3A_228, %dma_start3A_229] : memref<4x128x128xf32, #tpu.memory_space<vmem>> -> memref<1x128x128xf32, #tpu.memory_space<vmem>>
    %dma_start3A_231 = tpu.memref_squeeze %dma_start3A_230 : memref<1x128x128xf32, #tpu.memory_space<vmem>> -> memref<128x128xf32, #tpu.memory_space<vmem>>
    tpu.enqueue_dma source(%dma_start3A_231 : memref<128x128xf32, #tpu.memory_space<vmem>>) target(%dma_start3A_227 : memref<128x128xf32, #tpu.memory_space<hbm>>) target_semaphore(%arg8 : memref<!tpu.dma_semaphore, #tpu.memory_space<semaphore_mem>>)
    %dma_wait3A_232 = arith.constant 4 : i32
    %dma_wait3A_233 = arith.constant 0 : i32
    %dma_wait3A_234 = arith.constant 0 : i32
    %dma_wait3A_235 = arith.constant 0 : i32
    %dma_wait3A_236 = tpu.memref_slice %arg6[%dma_wait3A_233, %dma_wait3A_234, %dma_wait3A_235] : memref<4x128x128xf32, #tpu.memory_space<vmem>> -> memref<1x128x128xf32, #tpu.memory_space<vmem>>
    %dma_wait3A_237 = tpu.memref_squeeze %dma_wait3A_236 : memref<1x128x128xf32, #tpu.memory_space<vmem>> -> memref<128x128xf32, #tpu.memory_space<vmem>>
    %dma_wait3A_238 = arith.constant 0 : i32
    %dma_wait3A_239 = tpu.memref_slice %arg5[%dma_wait3A_232, %dma_wait3A_238] : memref<8x128xi32, #tpu.memory_space<vmem>> -> memref<1x128xi32, #tpu.memory_space<vmem>>
    %dma_wait3A_240 = tpu.memref_squeeze %dma_wait3A_239 : memref<1x128xi32, #tpu.memory_space<vmem>> -> memref<128xi32, #tpu.memory_space<vmem>>
    %dma_wait3A_241 = arith.constant 0 : i32
    %dma_wait3A_242 = arith.constant 0 : i32
    %dma_wait3A_243 = tpu.memref_slice %arg3[%dma_wait3A_241, %dma_wait3A_242] : memref<100000x128xf32, #tpu.memory_space<hbm>> -> memref<100000x128xf32, #tpu.memory_space<hbm>>
    tpu.wait_indirect_dma semaphore(%arg7 : memref<!tpu.dma_semaphore, #tpu.memory_space<semaphore_mem>>) src(%dma_wait3A_243 : memref<100000x128xf32, #tpu.memory_space<hbm>>) dst(%dma_wait3A_237 : memref<128x128xf32, #tpu.memory_space<vmem>>)
    %dma_wait3A_244 = arith.constant 3 : i32
    %dma_wait3A_245 = arith.constant 0 : i32
    %dma_wait3A_246 = arith.constant 0 : i32
    %dma_wait3A_247 = tpu.memref_slice %arg6[%dma_wait3A_244, %dma_wait3A_245, %dma_wait3A_246] : memref<4x128x128xf32, #tpu.memory_space<vmem>> -> memref<1x128x128xf32, #tpu.memory_space<vmem>>
    %dma_wait3A_248 = tpu.memref_squeeze %dma_wait3A_247 : memref<1x128x128xf32, #tpu.memory_space<vmem>> -> memref<128x128xf32, #tpu.memory_space<vmem>>
    %dma_wait3A_249 = arith.constant 0 : i32
    %dma_wait3A_250 = tpu.memref_slice %arg4[%add3A_218, %dma_wait3A_249] : memref<32768x128xf32, #tpu.memory_space<hbm>> -> memref<128x128xf32, #tpu.memory_space<hbm>>
    %dma_wait3A_251 = arith.constant 0 : i32
    %dma_wait3A_252 = tpu.memref_slice %arg4[%add3A_218, %dma_wait3A_251] : memref<32768x128xf32, #tpu.memory_space<hbm>> -> memref<128x128xf32, #tpu.memory_space<hbm>>
    %dma_wait3A_253 = arith.constant 0 : i32
    %dma_wait3A_254 = arith.constant 0 : i32
    %dma_wait3A_255 = tpu.memref_slice %arg6[%dma_wait3A_244, %dma_wait3A_253, %dma_wait3A_254] : memref<4x128x128xf32, #tpu.memory_space<vmem>> -> memref<1x128x128xf32, #tpu.memory_space<vmem>>
    %dma_wait3A_256 = tpu.memref_squeeze %dma_wait3A_255 : memref<1x128x128xf32, #tpu.memory_space<vmem>> -> memref<128x128xf32, #tpu.memory_space<vmem>>
    tpu.wait_dma2 semaphore(%arg8 : memref<!tpu.dma_semaphore, #tpu.memory_space<semaphore_mem>>) src(%dma_wait3A_256 : memref<128x128xf32, #tpu.memory_space<vmem>>) dst(%dma_wait3A_252 : memref<128x128xf32, #tpu.memory_space<hbm>>)
    %dma_start3A_257 = arith.constant 7 : i32
    %dma_start3A_258 = arith.constant 3 : i32
    %dma_start3A_259 = arith.constant 0 : i32
    %dma_start3A_260 = arith.constant 0 : i32
    %dma_start3A_261 = tpu.memref_slice %arg6[%dma_start3A_258, %dma_start3A_259, %dma_start3A_260] : memref<4x128x128xf32, #tpu.memory_space<vmem>> -> memref<1x128x128xf32, #tpu.memory_space<vmem>>
    %dma_start3A_262 = tpu.memref_squeeze %dma_start3A_261 : memref<1x128x128xf32, #tpu.memory_space<vmem>> -> memref<128x128xf32, #tpu.memory_space<vmem>>
    %dma_start3A_263 = arith.constant 0 : i32
    %dma_start3A_264 = tpu.memref_slice %arg5[%dma_start3A_257, %dma_start3A_263] : memref<8x128xi32, #tpu.memory_space<vmem>> -> memref<1x128xi32, #tpu.memory_space<vmem>>
    %dma_start3A_265 = tpu.memref_squeeze %dma_start3A_264 : memref<1x128xi32, #tpu.memory_space<vmem>> -> memref<128xi32, #tpu.memory_space<vmem>>
    %dma_start3A_266 = arith.constant 0 : i32
    %dma_start3A_267 = arith.constant 0 : i32
    %dma_start3A_268 = tpu.memref_slice %arg3[%dma_start3A_266, %dma_start3A_267] : memref<100000x128xf32, #tpu.memory_space<hbm>> -> memref<100000x128xf32, #tpu.memory_space<hbm>>
    tpu.enqueue_indirect_dma source(%dma_start3A_268 : memref<100000x128xf32, #tpu.memory_space<hbm>>) target(%dma_start3A_262 : memref<128x128xf32, #tpu.memory_space<vmem>>) offsets(%dma_start3A_265 : memref<128xi32, #tpu.memory_space<vmem>>) semaphore(%arg7 : memref<!tpu.dma_semaphore, #tpu.memory_space<semaphore_mem>>)
    %add3A_269 = arith.constant 512 : i32
    %add3A_270 = arith.addi %mul3A_2, %add3A_269 : i32
    %dma_start3A_271 = arith.constant 0 : i32
    %dma_start3A_272 = arith.constant 0 : i32
    %dma_start3A_273 = arith.constant 0 : i32
    %dma_start3A_274 = tpu.memref_slice %arg6[%dma_start3A_271, %dma_start3A_272, %dma_start3A_273] : memref<4x128x128xf32, #tpu.memory_space<vmem>> -> memref<1x128x128xf32, #tpu.memory_space<vmem>>
    %dma_start3A_275 = tpu.memref_squeeze %dma_start3A_274 : memref<1x128x128xf32, #tpu.memory_space<vmem>> -> memref<128x128xf32, #tpu.memory_space<vmem>>
    %dma_start3A_276 = arith.constant 0 : i32
    %dma_start3A_277 = tpu.memref_slice %arg4[%add3A_270, %dma_start3A_276] : memref<32768x128xf32, #tpu.memory_space<hbm>> -> memref<128x128xf32, #tpu.memory_space<hbm>>
    %dma_start3A_278 = arith.constant 0 : i32
    %dma_start3A_279 = tpu.memref_slice %arg4[%add3A_270, %dma_start3A_278] : memref<32768x128xf32, #tpu.memory_space<hbm>> -> memref<128x128xf32, #tpu.memory_space<hbm>>
    %dma_start3A_280 = arith.constant 0 : i32
    %dma_start3A_281 = arith.constant 0 : i32
    %dma_start3A_282 = tpu.memref_slice %arg6[%dma_start3A_271, %dma_start3A_280, %dma_start3A_281] : memref<4x128x128xf32, #tpu.memory_space<vmem>> -> memref<1x128x128xf32, #tpu.memory_space<vmem>>
    %dma_start3A_283 = tpu.memref_squeeze %dma_start3A_282 : memref<1x128x128xf32, #tpu.memory_space<vmem>> -> memref<128x128xf32, #tpu.memory_space<vmem>>
    tpu.enqueue_dma source(%dma_start3A_283 : memref<128x128xf32, #tpu.memory_space<vmem>>) target(%dma_start3A_279 : memref<128x128xf32, #tpu.memory_space<hbm>>) target_semaphore(%arg8 : memref<!tpu.dma_semaphore, #tpu.memory_space<semaphore_mem>>)
    %dma_wait3A_284 = arith.constant 5 : i32
    %dma_wait3A_285 = arith.constant 1 : i32
    %dma_wait3A_286 = arith.constant 0 : i32
    %dma_wait3A_287 = arith.constant 0 : i32
    %dma_wait3A_288 = tpu.memref_slice %arg6[%dma_wait3A_285, %dma_wait3A_286, %dma_wait3A_287] : memref<4x128x128xf32, #tpu.memory_space<vmem>> -> memref<1x128x128xf32, #tpu.memory_space<vmem>>
    %dma_wait3A_289 = tpu.memref_squeeze %dma_wait3A_288 : memref<1x128x128xf32, #tpu.memory_space<vmem>> -> memref<128x128xf32, #tpu.memory_space<vmem>>
    %dma_wait3A_290 = arith.constant 0 : i32
    %dma_wait3A_291 = tpu.memref_slice %arg5[%dma_wait3A_284, %dma_wait3A_290] : memref<8x128xi32, #tpu.memory_space<vmem>> -> memref<1x128xi32, #tpu.memory_space<vmem>>
    %dma_wait3A_292 = tpu.memref_squeeze %dma_wait3A_291 : memref<1x128xi32, #tpu.memory_space<vmem>> -> memref<128xi32, #tpu.memory_space<vmem>>
    %dma_wait3A_293 = arith.constant 0 : i32
    %dma_wait3A_294 = arith.constant 0 : i32
    %dma_wait3A_295 = tpu.memref_slice %arg3[%dma_wait3A_293, %dma_wait3A_294] : memref<100000x128xf32, #tpu.memory_space<hbm>> -> memref<100000x128xf32, #tpu.memory_space<hbm>>
    tpu.wait_indirect_dma semaphore(%arg7 : memref<!tpu.dma_semaphore, #tpu.memory_space<semaphore_mem>>) src(%dma_wait3A_295 : memref<100000x128xf32, #tpu.memory_space<hbm>>) dst(%dma_wait3A_289 : memref<128x128xf32, #tpu.memory_space<vmem>>)
    %add3A_296 = arith.constant 640 : i32
    %add3A_297 = arith.addi %mul3A_2, %add3A_296 : i32
    %dma_start3A_298 = arith.constant 1 : i32
    %dma_start3A_299 = arith.constant 0 : i32
    %dma_start3A_300 = arith.constant 0 : i32
    %dma_start3A_301 = tpu.memref_slice %arg6[%dma_start3A_298, %dma_start3A_299, %dma_start3A_300] : memref<4x128x128xf32, #tpu.memory_space<vmem>> -> memref<1x128x128xf32, #tpu.memory_space<vmem>>
    %dma_start3A_302 = tpu.memref_squeeze %dma_start3A_301 : memref<1x128x128xf32, #tpu.memory_space<vmem>> -> memref<128x128xf32, #tpu.memory_space<vmem>>
    %dma_start3A_303 = arith.constant 0 : i32
    %dma_start3A_304 = tpu.memref_slice %arg4[%add3A_297, %dma_start3A_303] : memref<32768x128xf32, #tpu.memory_space<hbm>> -> memref<128x128xf32, #tpu.memory_space<hbm>>
    %dma_start3A_305 = arith.constant 0 : i32
    %dma_start3A_306 = tpu.memref_slice %arg4[%add3A_297, %dma_start3A_305] : memref<32768x128xf32, #tpu.memory_space<hbm>> -> memref<128x128xf32, #tpu.memory_space<hbm>>
    %dma_start3A_307 = arith.constant 0 : i32
    %dma_start3A_308 = arith.constant 0 : i32
    %dma_start3A_309 = tpu.memref_slice %arg6[%dma_start3A_298, %dma_start3A_307, %dma_start3A_308] : memref<4x128x128xf32, #tpu.memory_space<vmem>> -> memref<1x128x128xf32, #tpu.memory_space<vmem>>
    %dma_start3A_310 = tpu.memref_squeeze %dma_start3A_309 : memref<1x128x128xf32, #tpu.memory_space<vmem>> -> memref<128x128xf32, #tpu.memory_space<vmem>>
    tpu.enqueue_dma source(%dma_start3A_310 : memref<128x128xf32, #tpu.memory_space<vmem>>) target(%dma_start3A_306 : memref<128x128xf32, #tpu.memory_space<hbm>>) target_semaphore(%arg8 : memref<!tpu.dma_semaphore, #tpu.memory_space<semaphore_mem>>)
    %dma_wait3A_311 = arith.constant 6 : i32
    %dma_wait3A_312 = arith.constant 2 : i32
    %dma_wait3A_313 = arith.constant 0 : i32
    %dma_wait3A_314 = arith.constant 0 : i32
    %dma_wait3A_315 = tpu.memref_slice %arg6[%dma_wait3A_312, %dma_wait3A_313, %dma_wait3A_314] : memref<4x128x128xf32, #tpu.memory_space<vmem>> -> memref<1x128x128xf32, #tpu.memory_space<vmem>>
    %dma_wait3A_316 = tpu.memref_squeeze %dma_wait3A_315 : memref<1x128x128xf32, #tpu.memory_space<vmem>> -> memref<128x128xf32, #tpu.memory_space<vmem>>
    %dma_wait3A_317 = arith.constant 0 : i32
    %dma_wait3A_318 = tpu.memref_slice %arg5[%dma_wait3A_311, %dma_wait3A_317] : memref<8x128xi32, #tpu.memory_space<vmem>> -> memref<1x128xi32, #tpu.memory_space<vmem>>
    %dma_wait3A_319 = tpu.memref_squeeze %dma_wait3A_318 : memref<1x128xi32, #tpu.memory_space<vmem>> -> memref<128xi32, #tpu.memory_space<vmem>>
    %dma_wait3A_320 = arith.constant 0 : i32
    %dma_wait3A_321 = arith.constant 0 : i32
    %dma_wait3A_322 = tpu.memref_slice %arg3[%dma_wait3A_320, %dma_wait3A_321] : memref<100000x128xf32, #tpu.memory_space<hbm>> -> memref<100000x128xf32, #tpu.memory_space<hbm>>
    tpu.wait_indirect_dma semaphore(%arg7 : memref<!tpu.dma_semaphore, #tpu.memory_space<semaphore_mem>>) src(%dma_wait3A_322 : memref<100000x128xf32, #tpu.memory_space<hbm>>) dst(%dma_wait3A_316 : memref<128x128xf32, #tpu.memory_space<vmem>>)
    %add3A_323 = arith.constant 768 : i32
    %add3A_324 = arith.addi %mul3A_2, %add3A_323 : i32
    %dma_start3A_325 = arith.constant 2 : i32
    %dma_start3A_326 = arith.constant 0 : i32
    %dma_start3A_327 = arith.constant 0 : i32
    %dma_start3A_328 = tpu.memref_slice %arg6[%dma_start3A_325, %dma_start3A_326, %dma_start3A_327] : memref<4x128x128xf32, #tpu.memory_space<vmem>> -> memref<1x128x128xf32, #tpu.memory_space<vmem>>
    %dma_start3A_329 = tpu.memref_squeeze %dma_start3A_328 : memref<1x128x128xf32, #tpu.memory_space<vmem>> -> memref<128x128xf32, #tpu.memory_space<vmem>>
    %dma_start3A_330 = arith.constant 0 : i32
    %dma_start3A_331 = tpu.memref_slice %arg4[%add3A_324, %dma_start3A_330] : memref<32768x128xf32, #tpu.memory_space<hbm>> -> memref<128x128xf32, #tpu.memory_space<hbm>>
    %dma_start3A_332 = arith.constant 0 : i32
    %dma_start3A_333 = tpu.memref_slice %arg4[%add3A_324, %dma_start3A_332] : memref<32768x128xf32, #tpu.memory_space<hbm>> -> memref<128x128xf32, #tpu.memory_space<hbm>>
    %dma_start3A_334 = arith.constant 0 : i32
    %dma_start3A_335 = arith.constant 0 : i32
    %dma_start3A_336 = tpu.memref_slice %arg6[%dma_start3A_325, %dma_start3A_334, %dma_start3A_335] : memref<4x128x128xf32, #tpu.memory_space<vmem>> -> memref<1x128x128xf32, #tpu.memory_space<vmem>>
    %dma_start3A_337 = tpu.memref_squeeze %dma_start3A_336 : memref<1x128x128xf32, #tpu.memory_space<vmem>> -> memref<128x128xf32, #tpu.memory_space<vmem>>
    tpu.enqueue_dma source(%dma_start3A_337 : memref<128x128xf32, #tpu.memory_space<vmem>>) target(%dma_start3A_333 : memref<128x128xf32, #tpu.memory_space<hbm>>) target_semaphore(%arg8 : memref<!tpu.dma_semaphore, #tpu.memory_space<semaphore_mem>>)
    %dma_wait3A_338 = arith.constant 7 : i32
    %dma_wait3A_339 = arith.constant 3 : i32
    %dma_wait3A_340 = arith.constant 0 : i32
    %dma_wait3A_341 = arith.constant 0 : i32
    %dma_wait3A_342 = tpu.memref_slice %arg6[%dma_wait3A_339, %dma_wait3A_340, %dma_wait3A_341] : memref<4x128x128xf32, #tpu.memory_space<vmem>> -> memref<1x128x128xf32, #tpu.memory_space<vmem>>
    %dma_wait3A_343 = tpu.memref_squeeze %dma_wait3A_342 : memref<1x128x128xf32, #tpu.memory_space<vmem>> -> memref<128x128xf32, #tpu.memory_space<vmem>>
    %dma_wait3A_344 = arith.constant 0 : i32
    %dma_wait3A_345 = tpu.memref_slice %arg5[%dma_wait3A_338, %dma_wait3A_344] : memref<8x128xi32, #tpu.memory_space<vmem>> -> memref<1x128xi32, #tpu.memory_space<vmem>>
    %dma_wait3A_346 = tpu.memref_squeeze %dma_wait3A_345 : memref<1x128xi32, #tpu.memory_space<vmem>> -> memref<128xi32, #tpu.memory_space<vmem>>
    %dma_wait3A_347 = arith.constant 0 : i32
    %dma_wait3A_348 = arith.constant 0 : i32
    %dma_wait3A_349 = tpu.memref_slice %arg3[%dma_wait3A_347, %dma_wait3A_348] : memref<100000x128xf32, #tpu.memory_space<hbm>> -> memref<100000x128xf32, #tpu.memory_space<hbm>>
    tpu.wait_indirect_dma semaphore(%arg7 : memref<!tpu.dma_semaphore, #tpu.memory_space<semaphore_mem>>) src(%dma_wait3A_349 : memref<100000x128xf32, #tpu.memory_space<hbm>>) dst(%dma_wait3A_343 : memref<128x128xf32, #tpu.memory_space<vmem>>)
    %add3A_350 = arith.constant 896 : i32
    %add3A_351 = arith.addi %mul3A_2, %add3A_350 : i32
    %dma_start3A_352 = arith.constant 3 : i32
    %dma_start3A_353 = arith.constant 0 : i32
    %dma_start3A_354 = arith.constant 0 : i32
    %dma_start3A_355 = tpu.memref_slice %arg6[%dma_start3A_352, %dma_start3A_353, %dma_start3A_354] : memref<4x128x128xf32, #tpu.memory_space<vmem>> -> memref<1x128x128xf32, #tpu.memory_space<vmem>>
    %dma_start3A_356 = tpu.memref_squeeze %dma_start3A_355 : memref<1x128x128xf32, #tpu.memory_space<vmem>> -> memref<128x128xf32, #tpu.memory_space<vmem>>
    %dma_start3A_357 = arith.constant 0 : i32
    %dma_start3A_358 = tpu.memref_slice %arg4[%add3A_351, %dma_start3A_357] : memref<32768x128xf32, #tpu.memory_space<hbm>> -> memref<128x128xf32, #tpu.memory_space<hbm>>
    %dma_start3A_359 = arith.constant 0 : i32
    %dma_start3A_360 = tpu.memref_slice %arg4[%add3A_351, %dma_start3A_359] : memref<32768x128xf32, #tpu.memory_space<hbm>> -> memref<128x128xf32, #tpu.memory_space<hbm>>
    %dma_start3A_361 = arith.constant 0 : i32
    %dma_start3A_362 = arith.constant 0 : i32
    %dma_start3A_363 = tpu.memref_slice %arg6[%dma_start3A_352, %dma_start3A_361, %dma_start3A_362] : memref<4x128x128xf32, #tpu.memory_space<vmem>> -> memref<1x128x128xf32, #tpu.memory_space<vmem>>
    %dma_start3A_364 = tpu.memref_squeeze %dma_start3A_363 : memref<1x128x128xf32, #tpu.memory_space<vmem>> -> memref<128x128xf32, #tpu.memory_space<vmem>>
    tpu.enqueue_dma source(%dma_start3A_364 : memref<128x128xf32, #tpu.memory_space<vmem>>) target(%dma_start3A_360 : memref<128x128xf32, #tpu.memory_space<hbm>>) target_semaphore(%arg8 : memref<!tpu.dma_semaphore, #tpu.memory_space<semaphore_mem>>)
    %dma_wait3A_365 = arith.constant 0 : i32
    %dma_wait3A_366 = arith.constant 0 : i32
    %dma_wait3A_367 = arith.constant 0 : i32
    %dma_wait3A_368 = tpu.memref_slice %arg6[%dma_wait3A_365, %dma_wait3A_366, %dma_wait3A_367] : memref<4x128x128xf32, #tpu.memory_space<vmem>> -> memref<1x128x128xf32, #tpu.memory_space<vmem>>
    %dma_wait3A_369 = tpu.memref_squeeze %dma_wait3A_368 : memref<1x128x128xf32, #tpu.memory_space<vmem>> -> memref<128x128xf32, #tpu.memory_space<vmem>>
    %dma_wait3A_370 = arith.constant 0 : i32
    %dma_wait3A_371 = tpu.memref_slice %arg4[%add3A_270, %dma_wait3A_370] : memref<32768x128xf32, #tpu.memory_space<hbm>> -> memref<128x128xf32, #tpu.memory_space<hbm>>
    %dma_wait3A_372 = arith.constant 0 : i32
    %dma_wait3A_373 = tpu.memref_slice %arg4[%add3A_270, %dma_wait3A_372] : memref<32768x128xf32, #tpu.memory_space<hbm>> -> memref<128x128xf32, #tpu.memory_space<hbm>>
    %dma_wait3A_374 = arith.constant 0 : i32
    %dma_wait3A_375 = arith.constant 0 : i32
    %dma_wait3A_376 = tpu.memref_slice %arg6[%dma_wait3A_365, %dma_wait3A_374, %dma_wait3A_375] : memref<4x128x128xf32, #tpu.memory_space<vmem>> -> memref<1x128x128xf32, #tpu.memory_space<vmem>>
    %dma_wait3A_377 = tpu.memref_squeeze %dma_wait3A_376 : memref<1x128x128xf32, #tpu.memory_space<vmem>> -> memref<128x128xf32, #tpu.memory_space<vmem>>
    tpu.wait_dma2 semaphore(%arg8 : memref<!tpu.dma_semaphore, #tpu.memory_space<semaphore_mem>>) src(%dma_wait3A_377 : memref<128x128xf32, #tpu.memory_space<vmem>>) dst(%dma_wait3A_373 : memref<128x128xf32, #tpu.memory_space<hbm>>)
    %dma_wait3A_378 = arith.constant 1 : i32
    %dma_wait3A_379 = arith.constant 0 : i32
    %dma_wait3A_380 = arith.constant 0 : i32
    %dma_wait3A_381 = tpu.memref_slice %arg6[%dma_wait3A_378, %dma_wait3A_379, %dma_wait3A_380] : memref<4x128x128xf32, #tpu.memory_space<vmem>> -> memref<1x128x128xf32, #tpu.memory_space<vmem>>
    %dma_wait3A_382 = tpu.memref_squeeze %dma_wait3A_381 : memref<1x128x128xf32, #tpu.memory_space<vmem>> -> memref<128x128xf32, #tpu.memory_space<vmem>>
    %dma_wait3A_383 = arith.constant 0 : i32
    %dma_wait3A_384 = tpu.memref_slice %arg4[%add3A_297, %dma_wait3A_383] : memref<32768x128xf32, #tpu.memory_space<hbm>> -> memref<128x128xf32, #tpu.memory_space<hbm>>
    %dma_wait3A_385 = arith.constant 0 : i32
    %dma_wait3A_386 = tpu.memref_slice %arg4[%add3A_297, %dma_wait3A_385] : memref<32768x128xf32, #tpu.memory_space<hbm>> -> memref<128x128xf32, #tpu.memory_space<hbm>>
    %dma_wait3A_387 = arith.constant 0 : i32
    %dma_wait3A_388 = arith.constant 0 : i32
    %dma_wait3A_389 = tpu.memref_slice %arg6[%dma_wait3A_378, %dma_wait3A_387, %dma_wait3A_388] : memref<4x128x128xf32, #tpu.memory_space<vmem>> -> memref<1x128x128xf32, #tpu.memory_space<vmem>>
    %dma_wait3A_390 = tpu.memref_squeeze %dma_wait3A_389 : memref<1x128x128xf32, #tpu.memory_space<vmem>> -> memref<128x128xf32, #tpu.memory_space<vmem>>
    tpu.wait_dma2 semaphore(%arg8 : memref<!tpu.dma_semaphore, #tpu.memory_space<semaphore_mem>>) src(%dma_wait3A_390 : memref<128x128xf32, #tpu.memory_space<vmem>>) dst(%dma_wait3A_386 : memref<128x128xf32, #tpu.memory_space<hbm>>)
    %dma_wait3A_391 = arith.constant 2 : i32
    %dma_wait3A_392 = arith.constant 0 : i32
    %dma_wait3A_393 = arith.constant 0 : i32
    %dma_wait3A_394 = tpu.memref_slice %arg6[%dma_wait3A_391, %dma_wait3A_392, %dma_wait3A_393] : memref<4x128x128xf32, #tpu.memory_space<vmem>> -> memref<1x128x128xf32, #tpu.memory_space<vmem>>
    %dma_wait3A_395 = tpu.memref_squeeze %dma_wait3A_394 : memref<1x128x128xf32, #tpu.memory_space<vmem>> -> memref<128x128xf32, #tpu.memory_space<vmem>>
    %dma_wait3A_396 = arith.constant 0 : i32
    %dma_wait3A_397 = tpu.memref_slice %arg4[%add3A_324, %dma_wait3A_396] : memref<32768x128xf32, #tpu.memory_space<hbm>> -> memref<128x128xf32, #tpu.memory_space<hbm>>
    %dma_wait3A_398 = arith.constant 0 : i32
    %dma_wait3A_399 = tpu.memref_slice %arg4[%add3A_324, %dma_wait3A_398] : memref<32768x128xf32, #tpu.memory_space<hbm>> -> memref<128x128xf32, #tpu.memory_space<hbm>>
    %dma_wait3A_400 = arith.constant 0 : i32
    %dma_wait3A_401 = arith.constant 0 : i32
    %dma_wait3A_402 = tpu.memref_slice %arg6[%dma_wait3A_391, %dma_wait3A_400, %dma_wait3A_401] : memref<4x128x128xf32, #tpu.memory_space<vmem>> -> memref<1x128x128xf32, #tpu.memory_space<vmem>>
    %dma_wait3A_403 = tpu.memref_squeeze %dma_wait3A_402 : memref<1x128x128xf32, #tpu.memory_space<vmem>> -> memref<128x128xf32, #tpu.memory_space<vmem>>
    tpu.wait_dma2 semaphore(%arg8 : memref<!tpu.dma_semaphore, #tpu.memory_space<semaphore_mem>>) src(%dma_wait3A_403 : memref<128x128xf32, #tpu.memory_space<vmem>>) dst(%dma_wait3A_399 : memref<128x128xf32, #tpu.memory_space<hbm>>)
    %dma_wait3A_404 = arith.constant 3 : i32
    %dma_wait3A_405 = arith.constant 0 : i32
    %dma_wait3A_406 = arith.constant 0 : i32
    %dma_wait3A_407 = tpu.memref_slice %arg6[%dma_wait3A_404, %dma_wait3A_405, %dma_wait3A_406] : memref<4x128x128xf32, #tpu.memory_space<vmem>> -> memref<1x128x128xf32, #tpu.memory_space<vmem>>
    %dma_wait3A_408 = tpu.memref_squeeze %dma_wait3A_407 : memref<1x128x128xf32, #tpu.memory_space<vmem>> -> memref<128x128xf32, #tpu.memory_space<vmem>>
    %dma_wait3A_409 = arith.constant 0 : i32
    %dma_wait3A_410 = tpu.memref_slice %arg4[%add3A_351, %dma_wait3A_409] : memref<32768x128xf32, #tpu.memory_space<hbm>> -> memref<128x128xf32, #tpu.memory_space<hbm>>
    %dma_wait3A_411 = arith.constant 0 : i32
    %dma_wait3A_412 = tpu.memref_slice %arg4[%add3A_351, %dma_wait3A_411] : memref<32768x128xf32, #tpu.memory_space<hbm>> -> memref<128x128xf32, #tpu.memory_space<hbm>>
    %dma_wait3A_413 = arith.constant 0 : i32
    %dma_wait3A_414 = arith.constant 0 : i32
    %dma_wait3A_415 = tpu.memref_slice %arg6[%dma_wait3A_404, %dma_wait3A_413, %dma_wait3A_414] : memref<4x128x128xf32, #tpu.memory_space<vmem>> -> memref<1x128x128xf32, #tpu.memory_space<vmem>>
    %dma_wait3A_416 = tpu.memref_squeeze %dma_wait3A_415 : memref<1x128x128xf32, #tpu.memory_space<vmem>> -> memref<128x128xf32, #tpu.memory_space<vmem>>
    tpu.wait_dma2 semaphore(%arg8 : memref<!tpu.dma_semaphore, #tpu.memory_space<semaphore_mem>>) src(%dma_wait3A_416 : memref<128x128xf32, #tpu.memory_space<vmem>>) dst(%dma_wait3A_412 : memref<128x128xf32, #tpu.memory_space<hbm>>)
    return
  }
}

</mosaic_0001>

<sc_bundles>
// kernel: kernel.3.cloned.1.call-start
scs
__scs_entry_jumppad:
0x0: {  	(pc) =	sbr.rel $0x88, $3  }
0x1: {  	(tag) =	ssettag $0x0;
	lr =	simm.s32 $0x1  }
0x2: {  	[smem:$0x3F9F] =	sst lr;
	_ =	strace $0xD0000000  }
0x3: {  	_ = 	snop  }
0x4: {  	_ = 	snop  }
0x5: {  	_ = 	snop  }
0x6: {  	_ = 	snop  }
0x7: {  	_ = 	snop  }
__scs_overlays_trampoline_lowered:
0x8: {  	[smem:$0x3FAE] =	sst s0  }
0x9: {  	[smem:$0x3FAF] =	sst s1  }
0xa: {  	[smem:$0x3FB0] =	sst s2  }
0xb: {  	[smem:$0x3FB1] =	sst s3  }
0xc: {  	[smem:$0x3FB2] =	sst s4  }
0xd: {  	[smem:$0x3FB3] =	sst s5  }
0xe: {  	[smem:$0x3FB4] =	sst s6  }
0xf: {  	[smem:$0x3FB5] =	sst s7  }
0x10: {  	[smem:$0x3FB6] =	sst s8  }
0x11: {  	[smem:$0x3FB7] =	sst s9;
	s0 =	simm.s32 @!p0 $0x0  }
0x12: {  	s1 =	sld [smem:$0x3F9D];
	s0 =	simm.s32 @p0 $0x1  }
0x13: {  	[smem:$0x3FB8] =	sst s0;
	s0 =	simm.s32 @!p1 $0x0  }
0x14: {  	s2 =	sld [smem:$0x3F9C];
	s0 =	simm.s32 @p1 $0x1  }
0x15: {  	[smem:$0x3FB9] =	sst s0;
	s0 =	simm.s32 @!p2 $0x0  }
0x16: {  	s3 =	sld [smem:$0x3FDB];
	s0 =	simm.s32 @p2 $0x1  }
0x17: {  	s4 =	simm.s32 $0x1BF5;
	[smem:$0x3FBB] =	sst s0  }
0x18: {  	s0 =	sld [smem:$0x3F9E];
	_ =	swait.ge [sflag:s4], $0x0  }
0x19: {  	s7 =	sld [smem:$0x3F9F]  }
0x1a: {  	s8 =	sadd.s32 $0xFFFFE003, lr  }
0x1b: {  	s9 =	sadd.s32 $0xFFFFFEF7, lr;
	s5 =	simm.s32 $0xFFFFFFFF;
	p2 =	slt.u32 s8, $0xFFFFF086  }
0x1c: {  	p1 =	slt.u32 s9, $0xF7A;
	s5 =	simm.s32 @!p2 $0x0  }
0x1d: {  	s5 =	simm.s32 @p1 $0x1;
	p0 =	seq.s32 s7, s2  }
0x1e: {  	s7 =	smul.u32 @!p0 $0xF7A, s2;
	p2 =	seq.s32 @!p0 s5, $0x0  }
0x1f: {  	s9 =	smul.u32 $0xF7A, s1;
	s8 =	simm.s32 @!p0 $0x1BF5;
	p2 =	por !p2, p0  }
0x20: {  	[sflag:s8] =	ssyncset.s32 @!p0 $0xFFFFF086;
	s6 =	sadd.s32 @!p0 s3, s7;
	s7 =	simm.s32 @!p0 $0x108  }
0x21: {  	s3 =	sadd.s32 s3, s9;
	s6 =	sadd.s32 @!p0 $0x88, s6;
	s7 =	simm.s32 @p2 $0x1082  }
0x22: {  	[simem:s7], [sflag:s8] =	dma.local @!p0 [hbm:s6], $0xF7A  }
0x23: {  	s9 =	sor.u32 $0xD0000000, s2;
	s6 =	simm.s32 $0x108;
	_ =	swait.ge @!p0 [sflag:s8], $0x0  }
0x24: {  	s3 =	sadd.s32 $0x88, s3;
	s6 =	simm.s32 @!p1 $0x1082;
	[sflag:s4] =	ssyncset.s32 $0xFFFFF086  }
0x25: {  	[simem:s6], [sflag:s4] =	dma.local [hbm:s3], $0xF7A  }
0x26: {  	[smem:$0x3F9F] =	sst s1;
	(tag) =	ssettag s2;
	_ =	strace s9  }
0x27: {  	s1 =	sld [smem:$0x3FAF]  }
0x28: {  	s2 =	sld [smem:$0x3FB0]  }
0x29: {  	s4 =	sld [smem:$0x3FB2]  }
0x2a: {  	p0 =	seq.s32 s5, $0x0;
	s5 =	sld [smem:$0x3FB3]  }
0x2b: {  	s6 =	sld [smem:$0x3FB4]  }
0x2c: {  	s7 =	sld [smem:$0x3FB5]  }
0x2d: {  	s3 =	simm.s32 $0x108;
	s8 =	sld [smem:$0x3FB6]  }
0x2e: {  	s3 =	simm.s32 @!p0 $0x1082;
	s9 =	sld [smem:$0x3FB7]  }
0x2f: {  	lr =	sadd.s32 s0, s3;
	s0 =	sld [smem:$0x3FAE]  }
0x30: {  	s3 =	sld [smem:$0x3FB1]  }
0x31: {  	[smem:$0x3FBA] =	sst s10  }
0x32: {  	s10 =	sld [smem:$0x3FB8];
	_ =	sdelay $0x3  }
0x33: {  	p0 =	seq.s32 s10, $0x1;
	s10 =	sld [smem:$0x3FBA];
	_ =	sdelay $0x3  }
0x34: {  	[smem:$0x3FBA] =	sst s10  }
0x35: {  	s10 =	sld [smem:$0x3FB9];
	_ =	sdelay $0x3  }
0x36: {  	p1 =	seq.s32 s10, $0x1;
	s10 =	sld [smem:$0x3FBA];
	_ =	sdelay $0x3  }
0x37: {  	[smem:$0x3FBA] =	sst s10  }
0x38: {  	s10 =	sld [smem:$0x3FBB]  }
0x39: {  	_ = 	snop;
	(pc) =	sbr.ind lr, $3  }
0x3a: {  	_ = 	snop  }
0x3b: {  	_ = 	snop  }
0x3c: {  	p2 =	seq.s32 s10, $0x1;
	s10 =	sld [smem:$0x3FBA]  }
0x3d: {  	_ =	shalt  }
0x3e: {  	_ =	shalt  }
0x3f: {  	_ =	shalt  }
0x40: {  	_ =	shalt  }
0x41: {  	_ =	shalt  }
0x42: {  	_ =	shalt  }
0x43: {  	_ =	shalt  }
0x44: {  	_ =	shalt  }
0x45: {  	_ =	shalt  }
0x46: {  	_ =	shalt  }
0x47: {  	_ =	shalt  }
0x48: {  	_ =	shalt  }
0x49: {  	_ =	shalt  }
0x4a: {  	_ =	shalt  }
0x4b: {  	_ =	shalt  }
0x4c: {  	_ =	shalt  }
0x4d: {  	_ =	shalt  }
0x4e: {  	_ =	shalt  }
0x4f: {  	_ =	shalt  }
0x50: {  	_ =	shalt  }
0x51: {  	_ =	shalt  }
0x52: {  	_ =	shalt  }
0x53: {  	_ =	shalt  }
0x54: {  	_ =	shalt  }
0x55: {  	_ =	shalt  }
0x56: {  	_ =	shalt  }
0x57: {  	_ =	shalt  }
0x58: {  	_ =	shalt  }
0x59: {  	_ =	shalt  }
0x5a: {  	_ =	shalt  }
0x5b: {  	_ =	shalt  }
0x5c: {  	_ =	shalt  }
0x5d: {  	_ =	shalt  }
0x5e: {  	_ =	shalt  }
0x5f: {  	_ =	shalt  }
0x60: {  	_ =	shalt  }
0x61: {  	_ =	shalt  }
0x62: {  	_ =	shalt  }
0x63: {  	_ =	shalt  }
0x64: {  	_ =	shalt  }
0x65: {  	_ =	shalt  }
0x66: {  	_ =	shalt  }
0x67: {  	_ =	shalt  }
0x68: {  	_ =	shalt  }
0x69: {  	_ =	shalt  }
0x6a: {  	_ =	shalt  }
0x6b: {  	_ =	shalt  }
0x6c: {  	_ =	shalt  }
0x6d: {  	_ =	shalt  }
0x6e: {  	_ =	shalt  }
0x6f: {  	_ =	shalt  }
0x70: {  	_ =	shalt  }
0x71: {  	_ =	shalt  }
0x72: {  	_ =	shalt  }
0x73: {  	_ =	shalt  }
0x74: {  	_ =	shalt  }
0x75: {  	_ =	shalt  }
0x76: {  	_ =	shalt  }
0x77: {  	_ =	shalt  }
0x78: {  	_ =	shalt  }
0x79: {  	_ =	shalt  }
0x7a: {  	_ =	shalt  }
0x7b: {  	_ =	shalt  }
0x7c: {  	_ =	shalt  }
0x7d: {  	_ =	shalt  }
0x7e: {  	_ =	shalt  }
0x7f: {  	_ =	shalt  }
0x80: {  	_ =	shalt  }
0x81: {  	_ =	shalt  }
0x82: {  	_ =	shalt  }
0x83: {  	_ =	shalt  }
0x84: {  	_ =	shalt  }
0x85: {  	_ =	shalt  }
0x86: {  	_ =	shalt  }
0x87: {  	_ =	shalt  }
.Lfunc_end0:
.L_simem_size_0:
called_computation_lowered:
.L_overlay_start_0:
0x88: {  	s2 =	sld [smem:$0x3FD9]  }
0x89: {  	s3 =	sld [smem:$0x3FFE];
	_ =	sdelay $0x1  }
0x8a: {  	s1 =	srdreg.scid  }
0x8b: {  	s0 =	sand.u32 $0x1, s1  }
0x8c: {  	s17 =	sshll.u32 s0, $0xA;
	s2 =	sadd.s32 s3, s2  }
0x8d: {  	s2 =	sadd.s32 s2, s17  }
0x8e: {  	[smem:$0x3FC6] =	sst s2  }
0x8f: {  	_ = 	snop  }
0x90: {  	s2 =	sld [smem:$0x3FC8]  }
0x91: {  	s18 =	sld [smem:$0x3FD0];
	(tm) =	ssettm $0x1  }
0x92: {  	s4 =	sld [smem:$0x3FFB];
	_ =	sdelay $0x3  }
0x93: {  	_ =	strace s4  }
0x94: {  	s4 =	sld [smem:$0x3FFC];
	_ =	sdelay $0x3  }
0x95: {  	_ =	strace s4  }
0x96: {  	s4 =	sld [smem:$0x3FFD];
	_ =	sdelay $0x3  }
0x97: {  	_ =	strace s4  }
0x98: {  	_ =	strace $0x8FFFFFFF  }
0x99: {  	s19 =	sld [smem:$0x3FDB];
	_ =	sdelay $0x1  }
0x9a: {  	s5 =	simm.s32 $_scs_section_size  }
0x9b: {  	s6 =	simm.s32 $_size__tile_overlayer_lowered;
	s7 =	simm.s32 $_tile_overlayer_lowered  }
0x9c: {  	s22 =	simm.s32 $0x1BFF;
	s21 =	sshll.u32 s7, $0x1;
	s4 =	sadd.s32 s5, s19  }
0x9d: {  	s8 =	simm.s32 $0x0;
	s20 =	sshll.u32 s6, $0x1;
	s6 =	sadd.s32 s21, s4  }
0x9e: {  	[timem:s8], [sflag:s22] =	dma.local [hbm:s6], s20  }
0x9f: {  	_ =	swait.ge [sflag:s22], s20  }
0xa0: {  	s5 =	ssub.s32 $0x0, s20;
	[sflag:s22] =	ssyncset.done $0x0  }
0xa1: {  	[sflag:s22] =	ssyncadd.s32 s5;
	_ =	sdelay $0x1  }
0xa2: {  	s23 =	simm.s32 $0x1B8B  }
0xa3: {  	_ =	swait.ge [sflag:s23], $0x1  }
0xa4: {  	[sflag:s23] =	ssyncset.done $0x0  }
0xa5: {  	s25 =	simm.s32 $0x1B8E;
	s24 =	sld [smem:$0x3FFE];
	[sflag:s23] =	ssyncadd.s32 $0xFFFFFFFF  }
0xa6: {  	s26 =	simm.s32 $execute0_lowered;
	[smem:$0x3FD2] =	sst s25  }
0xa7: {  	s6 =	sshll.u32 s26, $0x1;
	_ =	strace $0x80000046;
	[dreg:$0x1] =	wrdreg $0xFFFFFFFF  }
0xa8: {  	s28 =	simm.s32 $_size_execute0_lowered;
	s4 =	sadd.s32 s4, s6;
	[dreg:$0x0] =	wrdreg $0x0  }
0xa9: {  	s6 =	sshll.u32 s28, $0x1;
	[dreg:$0x2] =	wrdreg s4  }
0xaa: {  	[dreg:$0x3] =	wrdreg s6  }
0xab: {  	[dreg:$0x4] =	wrdreg $0xC0  }
0xac: {  	_ =	task [dreg:s8], $0x5FFFF  }
0xad: {  	[dreg:$0x1] =	wrdreg $0xFFFFFFFF  }
0xae: {  	[dreg:$0x0] =	wrdreg $0x60  }
0xaf: {  	[dreg:$0x2] =	wrdreg s24  }
0xb0: {  	[dreg:$0x3] =	wrdreg s2  }
0xb1: {  	[dreg:$0x4] =	wrdreg s18  }
0xb2: {  	[dreg:$0x5] =	wrdreg $0x9  }
0xb3: {  	_ =	task.clear_ibuf [dreg:s8], $0x6FFFF;
	_ =	strace $0x90000046  }
0xb4: {  	s29 =	simm.s32 $0x9;
	_ =	strace $0x80000048  }
0xb5: {  	_ =	swait.ge [sflag:s29], $0x1  }
0xb6: {  	[sflag:s29] =	ssyncadd.s32 $0xFFFFFFFF  }
0xb7: {  	_ =	strace $0x90000048  }
0xb8: {  	_ =	sfence  }
0xb9: {  	s30 =	sld [smem:$0x0];
	_ =	sdelay $0x2  }
0xba: {  	s31 =	sshll.u32 s1, $0xD;
	s1 =	sshrl.u32 s1, $0x2  }
0xbb: {  	s3 =	sand.u32 $0x4000, s31;
	s1 =	sadd.s32 s1, s30  }
0xbc: {  	s0 =	sor.u32 s3, s0;
	s1 =	sshll.u32 s1, $0x11  }
0xbd: {  	s0 =	sor.u32 s1, s0  }
0xbe: {  	s0 =	sadd.s32 $0x8F2B, s0  }
0xbf: {  	[sflag:s0] =	ssyncadd.remote.s32 $0x1  }
0xc0: {  	_ =	sfence.sel $0xFFFF  }
0xc1: {  	[dreg:$0x0] =	wrdreg $0xFFFFFFFF;
	(pc) =	sbr.abs _section_cstart, $3  }
0xc2: {  	[dreg:$0x1] =	wrdreg $0xFFFFFFFF  }
0xc3: {  	_ =	task.clear_ibuf [dreg:s8], $0x2FFFF;
	_ =	strace $0x9FFFFFFF  }
0xc4: {  	(tm) =	ssettm $0x7FFFFFFF  }
0xc5: {  	_ =	shalt  }
tec
execute0_lowered:
.L_overlay_start_1:
0x0: {  	(tag) =	ssettag $0x1  }
0x1: {  	s1 =	srdreg.scid  }
0x2: {  	s4 =	rddreg [dreg:$0x0];
	s0 =	stileid.u32;
	s28 =	sand.u32 $0x1, s1  }
0x3: {  	s2 =	rddreg [dreg:$0x1];
	s31 =	sshll.u32 s0, $0xB;
	s3 =	sshll.u32 s28, $0xA  }
0x4: {  	s14 =	rddreg [dreg:$0x2];
	s12 =	sor.u32 s3, s31  }
0x5: {  	s1 =	rddreg [dreg:$0x3];
	s3 =	simm.s32 $0x0;
	s5 =	sshrl.u32 s12, $0x3  }
0x6: {  	[smem:$0x7FF] =	sst s3;
	s4 =	sadd.s32 s5, s4  }
0x7: {  	_ =	strace $0x80000047;
	s5 =	simm.s32 $0x3;
	s4 =	sadd.s32 $0x400, s4  }
0x8: {  	[tilespmem:s3], [sflag:$0x3] =	stream.linear.gather [hbm4b:s4+s3], $0x400, $0x38;
	[tilespmem:$0x10400] =	vst v63  }
0x9: {  	_ =	swait.ge [sflag:s5], $0x400  }
0xa: {  	[sflag:s5] =	ssyncset.done $0x0  }
0xb: {  	s6 =	simm.s32 $0x80;
	s7 =	simm.s32 $0x400;
	[sflag:s5] =	ssyncadd.s32 $0xFFFFFC00  }
0xc: {  	[tilespmem:s7], [sflag:$0x1] =	stream.indirect.gather [hbm4b:s2+s6], $0x80, s3, s6, $0xb8;
	[tilespmem:$0x10400] =	vst v63  }
0xd: {  	s8 =	simm.s32 $0x4400  }
0xe: {  	[tilespmem:s8], [sflag:$0x1] =	stream.indirect.gather [hbm4b:s2+s6], $0x80, s6, s6, $0xb8;
	[tilespmem:$0x10400] =	vst v63  }
0xf: {  	s9 =	simm.s32 $0x100;
	s10 =	simm.s32 $0x8400;
	s11 =	simm.s32 $0x1  }
0x10: {  	[tilespmem:s10], [sflag:$0x1] =	stream.indirect.gather [hbm4b:s2+s6], $0x80, s9, s6, $0xb8;
	[tilespmem:$0x10400] =	vst v63  }
0x11: {  	_ =	swait.ge [sflag:s11], $0x4000  }
0x12: {  	s13 =	simm.s32 $0xC400;
	[sflag:s11] =	ssyncset.done $0x0  }
0x13: {  	s15 =	sshll.u32 s12, $0x4;
	s12 =	simm.s32 $0x180;
	[sflag:s11] =	ssyncadd.s32 $0xFFFFC000  }
0x14: {  	[tilespmem:s13], [sflag:$0x1] =	stream.indirect.gather [hbm4b:s2+s6], $0x80, s12, s6, $0xb8;
	[tilespmem:$0x10400] =	vst v63  }
0x15: {  	s14 =	sadd.s32 s14, s15  }
0x16: {  	[hbm4b:s14+s3] =	stream.linear.scatter [tilespmem:s7], [sflag:$0x2], $0x4000, $0x38;
	[tilespmem:$0x10400] =	vst v63  }
0x17: {  	_ =	swait.ge [sflag:s11], $0x4000  }
0x18: {  	[sflag:s11] =	ssyncset.done $0x0  }
0x19: {  	s15 =	simm.s32 $0x2;
	[sflag:s11] =	ssyncadd.s32 $0xFFFFC000  }
0x1a: {  	_ =	swait.ge [sflag:s15], $0x4000  }
0x1b: {  	[sflag:s15] =	ssyncset.done $0x0  }
0x1c: {  	s16 =	simm.s32 $0x200;
	[sflag:s15] =	ssyncadd.s32 $0xFFFFC000  }
0x1d: {  	[tilespmem:s7], [sflag:$0x1] =	stream.indirect.gather [hbm4b:s2+s6], $0x80, s16, s6, $0xb8;
	[tilespmem:$0x10400] =	vst v63  }
0x1e: {  	s17 =	sadd.s32 $0x800, s14  }
0x1f: {  	[hbm4b:s17+s3] =	stream.linear.scatter [tilespmem:s8], [sflag:$0x2], $0x4000, $0x38;
	[tilespmem:$0x10400] =	vst v63  }
0x20: {  	_ =	swait.ge [sflag:s11], $0x4000  }
0x21: {  	[sflag:s11] =	ssyncset.done $0x0  }
0x22: {  	[sflag:s11] =	ssyncadd.s32 $0xFFFFC000  }
0x23: {  	_ =	swait.ge [sflag:s15], $0x4000  }
0x24: {  	[sflag:s15] =	ssyncset.done $0x0  }
0x25: {  	s18 =	simm.s32 $0x280;
	[sflag:s15] =	ssyncadd.s32 $0xFFFFC000  }
0x26: {  	[tilespmem:s8], [sflag:$0x1] =	stream.indirect.gather [hbm4b:s2+s6], $0x80, s18, s6, $0xb8;
	[tilespmem:$0x10400] =	vst v63  }
0x27: {  	s19 =	sadd.s32 $0x1000, s14  }
0x28: {  	[hbm4b:s19+s3] =	stream.linear.scatter [tilespmem:s10], [sflag:$0x2], $0x4000, $0x38;
	[tilespmem:$0x10400] =	vst v63  }
0x29: {  	_ =	swait.ge [sflag:s11], $0x4000  }
0x2a: {  	[sflag:s11] =	ssyncset.done $0x0  }
0x2b: {  	[sflag:s11] =	ssyncadd.s32 $0xFFFFC000  }
0x2c: {  	_ =	swait.ge [sflag:s15], $0x4000  }
0x2d: {  	[sflag:s15] =	ssyncset.done $0x0  }
0x2e: {  	s20 =	simm.s32 $0x300;
	[sflag:s15] =	ssyncadd.s32 $0xFFFFC000  }
0x2f: {  	[tilespmem:s10], [sflag:$0x1] =	stream.indirect.gather [hbm4b:s2+s6], $0x80, s20, s6, $0xb8;
	[tilespmem:$0x10400] =	vst v63  }
0x30: {  	s21 =	sadd.s32 $0x1800, s14  }
0x31: {  	[hbm4b:s21+s3] =	stream.linear.scatter [tilespmem:s13], [sflag:$0x2], $0x4000, $0x38;
	[tilespmem:$0x10400] =	vst v63  }
0x32: {  	_ =	swait.ge [sflag:s11], $0x4000  }
0x33: {  	[sflag:s11] =	ssyncset.done $0x0  }
0x34: {  	[sflag:s11] =	ssyncadd.s32 $0xFFFFC000  }
0x35: {  	_ =	swait.ge [sflag:s15], $0x4000  }
0x36: {  	[sflag:s15] =	ssyncset.done $0x0  }
0x37: {  	s22 =	simm.s32 $0x380;
	[sflag:s15] =	ssyncadd.s32 $0xFFFFC000  }
0x38: {  	[tilespmem:s13], [sflag:$0x1] =	stream.indirect.gather [hbm4b:s2+s6], $0x80, s22, s6, $0xb8;
	[tilespmem:$0x10400] =	vst v63  }
0x39: {  	s23 =	sadd.s32 $0x2000, s14  }
0x3a: {  	[hbm4b:s23+s3] =	stream.linear.scatter [tilespmem:s7], [sflag:$0x2], $0x4000, $0x38;
	[tilespmem:$0x10400] =	vst v63  }
0x3b: {  	_ =	swait.ge [sflag:s11], $0x4000  }
0x3c: {  	[sflag:s11] =	ssyncset.done $0x0  }
0x3d: {  	s24 =	sadd.s32 $0x2800, s14;
	[sflag:s11] =	ssyncadd.s32 $0xFFFFC000  }
0x3e: {  	[hbm4b:s24+s3] =	stream.linear.scatter [tilespmem:s8], [sflag:$0x2], $0x4000, $0x38;
	[tilespmem:$0x10400] =	vst v63  }
0x3f: {  	_ =	swait.ge [sflag:s11], $0x4000  }
0x40: {  	[sflag:s11] =	ssyncset.done $0x0  }
0x41: {  	s25 =	sadd.s32 $0x3000, s14;
	[sflag:s11] =	ssyncadd.s32 $0xFFFFC000  }
0x42: {  	[hbm4b:s25+s3] =	stream.linear.scatter [tilespmem:s10], [sflag:$0x2], $0x4000, $0x38;
	[tilespmem:$0x10400] =	vst v63  }
0x43: {  	_ =	swait.ge [sflag:s11], $0x4000  }
0x44: {  	[sflag:s11] =	ssyncset.done $0x0  }
0x45: {  	s26 =	sadd.s32 $0x3800, s14;
	[sflag:s11] =	ssyncadd.s32 $0xFFFFC000  }
0x46: {  	[hbm4b:s26+s3] =	stream.linear.scatter [tilespmem:s13], [sflag:$0x2], $0x4000, $0x38;
	[tilespmem:$0x10400] =	vst v63  }
0x47: {  	_ =	swait.ge [sflag:s15], $0x4000  }
0x48: {  	s28 =	ssub.s32 $0x2, s28;
	[sflag:s15] =	ssyncset.done $0x0  }
0x49: {  	s29 =	sshrl.u32 s28, $0x1;
	[sflag:s15] =	ssyncadd.s32 $0xFFFFC000  }
0x4a: {  	s28 =	ssub.s32 s28, s29;
	_ =	swait.ge [sflag:s15], $0x4000  }
0x4b: {  	s28 =	smax.u32 s28, $0x1;
	[sflag:s15] =	ssyncset.done $0x0  }
0x4c: {  	p0 =	sne.s32 s28, $0x1;
	[sflag:s15] =	ssyncadd.s32 $0xFFFFC000  }
.Ltmp0:
0x4d: {  	_ =	swait.ge [sflag:s15], $0x4000;
	(pc) =	sbr.rel @!p0 .LBB2_2-.Ltmp0, $4  }
0x4e: {  	[sflag:s15] =	ssyncset.done $0x0  }
0x4f: {  	[sflag:s15] =	ssyncadd.s32 $0xFFFFC000  }
0x50: {  	_ =	swait.ge [sflag:s15], $0x4000  }
0x51: {  	s28 =	sadd.s32 $0xFFFFFFFF, s28;
	[sflag:s15] =	ssyncset.done $0x0  }
.LBB2_1:
0x52: {  	p0 =	sne.s32 s28, $0x1;
	s28 =	sadd.s32 $0xFFFFFFFF, s28;
	[sflag:s15] =	ssyncadd.s32 $0xFFFFC000  }
0x53: {  	[tilespmem:s3], [sflag:$0x3] =	stream.linear.gather [hbm4b:s4+s3], $0x400, $0x38;
	[tilespmem:$0x10400] =	vst v63  }
0x54: {  	_ =	swait.ge [sflag:s5], $0x400  }
0x55: {  	[sflag:s5] =	ssyncset.done $0x0  }
0x56: {  	[sflag:s5] =	ssyncadd.s32 $0xFFFFFC00  }
0x57: {  	[tilespmem:s7], [sflag:$0x1] =	stream.indirect.gather [hbm4b:s2+s6], $0x80, s3, s6, $0xb8;
	[tilespmem:$0x10400] =	vst v63  }
0x58: {  	_ = 	snop  }
0x59: {  	[tilespmem:s8], [sflag:$0x1] =	stream.indirect.gather [hbm4b:s2+s6], $0x80, s6, s6, $0xb8;
	[tilespmem:$0x10400] =	vst v63  }
0x5a: {  	_ = 	snop  }
0x5b: {  	[tilespmem:s10], [sflag:$0x1] =	stream.indirect.gather [hbm4b:s2+s6], $0x80, s9, s6, $0xb8;
	[tilespmem:$0x10400] =	vst v63  }
0x5c: {  	_ =	swait.ge [sflag:s11], $0x4000  }
0x5d: {  	[sflag:s11] =	ssyncset.done $0x0  }
0x5e: {  	[sflag:s11] =	ssyncadd.s32 $0xFFFFC000  }
0x5f: {  	[tilespmem:s13], [sflag:$0x1] =	stream.indirect.gather [hbm4b:s2+s6], $0x80, s12, s6, $0xb8;
	[tilespmem:$0x10400] =	vst v63  }
0x60: {  	_ = 	snop  }
0x61: {  	[hbm4b:s14+s3] =	stream.linear.scatter [tilespmem:s7], [sflag:$0x2], $0x4000, $0x38;
	[tilespmem:$0x10400] =	vst v63  }
0x62: {  	_ =	swait.ge [sflag:s11], $0x4000  }
0x63: {  	[sflag:s11] =	ssyncset.done $0x0  }
0x64: {  	[sflag:s11] =	ssyncadd.s32 $0xFFFFC000  }
0x65: {  	_ =	swait.ge [sflag:s15], $0x4000  }
0x66: {  	[sflag:s15] =	ssyncset.done $0x0  }
0x67: {  	[sflag:s15] =	ssyncadd.s32 $0xFFFFC000  }
0x68: {  	[tilespmem:s7], [sflag:$0x1] =	stream.indirect.gather [hbm4b:s2+s6], $0x80, s16, s6, $0xb8;
	[tilespmem:$0x10400] =	vst v63  }
0x69: {  	_ = 	snop  }
0x6a: {  	[hbm4b:s17+s3] =	stream.linear.scatter [tilespmem:s8], [sflag:$0x2], $0x4000, $0x38;
	[tilespmem:$0x10400] =	vst v63  }
0x6b: {  	_ =	swait.ge [sflag:s11], $0x4000  }
0x6c: {  	[sflag:s11] =	ssyncset.done $0x0  }
0x6d: {  	[sflag:s11] =	ssyncadd.s32 $0xFFFFC000  }
0x6e: {  	_ =	swait.ge [sflag:s15], $0x4000  }
0x6f: {  	[sflag:s15] =	ssyncset.done $0x0  }
0x70: {  	[sflag:s15] =	ssyncadd.s32 $0xFFFFC000  }
0x71: {  	[tilespmem:s8], [sflag:$0x1] =	stream.indirect.gather [hbm4b:s2+s6], $0x80, s18, s6, $0xb8;
	[tilespmem:$0x10400] =	vst v63  }
0x72: {  	_ = 	snop  }
0x73: {  	[hbm4b:s19+s3] =	stream.linear.scatter [tilespmem:s10], [sflag:$0x2], $0x4000, $0x38;
	[tilespmem:$0x10400] =	vst v63  }
0x74: {  	_ =	swait.ge [sflag:s11], $0x4000  }
0x75: {  	[sflag:s11] =	ssyncset.done $0x0  }
0x76: {  	[sflag:s11] =	ssyncadd.s32 $0xFFFFC000  }
0x77: {  	_ =	swait.ge [sflag:s15], $0x4000  }
0x78: {  	[sflag:s15] =	ssyncset.done $0x0  }
0x79: {  	[sflag:s15] =	ssyncadd.s32 $0xFFFFC000  }
0x7a: {  	[tilespmem:s10], [sflag:$0x1] =	stream.indirect.gather [hbm4b:s2+s6], $0x80, s20, s6, $0xb8;
	[tilespmem:$0x10400] =	vst v63  }
0x7b: {  	_ = 	snop  }
0x7c: {  	[hbm4b:s21+s3] =	stream.linear.scatter [tilespmem:s13], [sflag:$0x2], $0x4000, $0x38;
	[tilespmem:$0x10400] =	vst v63  }
0x7d: {  	_ =	swait.ge [sflag:s11], $0x4000  }
0x7e: {  	[sflag:s11] =	ssyncset.done $0x0  }
0x7f: {  	[sflag:s11] =	ssyncadd.s32 $0xFFFFC000  }
0x80: {  	_ =	swait.ge [sflag:s15], $0x4000  }
0x81: {  	[sflag:s15] =	ssyncset.done $0x0  }
0x82: {  	[sflag:s15] =	ssyncadd.s32 $0xFFFFC000  }
0x83: {  	[tilespmem:s13], [sflag:$0x1] =	stream.indirect.gather [hbm4b:s2+s6], $0x80, s22, s6, $0xb8;
	[tilespmem:$0x10400] =	vst v63  }
0x84: {  	_ = 	snop  }
0x85: {  	[hbm4b:s23+s3] =	stream.linear.scatter [tilespmem:s7], [sflag:$0x2], $0x4000, $0x38;
	[tilespmem:$0x10400] =	vst v63  }
0x86: {  	_ =	swait.ge [sflag:s11], $0x4000  }
0x87: {  	[sflag:s11] =	ssyncset.done $0x0  }
0x88: {  	[sflag:s11] =	ssyncadd.s32 $0xFFFFC000  }
0x89: {  	[hbm4b:s24+s3] =	stream.linear.scatter [tilespmem:s8], [sflag:$0x2], $0x4000, $0x38;
	[tilespmem:$0x10400] =	vst v63  }
0x8a: {  	_ =	swait.ge [sflag:s11], $0x4000  }
0x8b: {  	[sflag:s11] =	ssyncset.done $0x0  }
0x8c: {  	[sflag:s11] =	ssyncadd.s32 $0xFFFFC000  }
0x8d: {  	[hbm4b:s25+s3] =	stream.linear.scatter [tilespmem:s10], [sflag:$0x2], $0x4000, $0x38;
	[tilespmem:$0x10400] =	vst v63  }
0x8e: {  	_ =	swait.ge [sflag:s11], $0x4000  }
0x8f: {  	[sflag:s11] =	ssyncset.done $0x0  }
0x90: {  	[sflag:s11] =	ssyncadd.s32 $0xFFFFC000  }
0x91: {  	[hbm4b:s26+s3] =	stream.linear.scatter [tilespmem:s13], [sflag:$0x2], $0x4000, $0x38;
	[tilespmem:$0x10400] =	vst v63  }
0x92: {  	_ =	swait.ge [sflag:s15], $0x4000  }
0x93: {  	[sflag:s15] =	ssyncset.done $0x0  }
0x94: {  	[sflag:s15] =	ssyncadd.s32 $0xFFFFC000  }
0x95: {  	_ =	swait.ge [sflag:s15], $0x4000  }
0x96: {  	[sflag:s15] =	ssyncset.done $0x0  }
0x97: {  	[sflag:s15] =	ssyncadd.s32 $0xFFFFC000  }
.Ltmp1:
0x98: {  	_ =	swait.ge [sflag:s15], $0x4000;
	(pc) =	sbr.rel @p0 .LBB2_1-.Ltmp1, $4  }
0x99: {  	[sflag:s15] =	ssyncset.done $0x0  }
0x9a: {  	[sflag:s15] =	ssyncadd.s32 $0xFFFFC000  }
0x9b: {  	_ =	swait.ge [sflag:s15], $0x4000  }
0x9c: {  	[sflag:s15] =	ssyncset.done $0x0  }
.LBB2_2:
0x9d: {  	[sflag:s15] =	ssyncadd.s32 $0xFFFFC000  }
0x9e: {  	_ =	sfence.sel $0x180000  }
0x9f: {  	[bflag:$0x0] =	sbarrier.arrive $0xFFFF  }
0xa0: {  	p0 =	sne.s32 s0, $0x0;
	_ =	strace $0x90000047  }
0xa1: {  	s0 =	sadd.s32 @!p0 $0x100000, s1;
	[bflag:$0x2] =	sbarrier.arrive $0xFFFF  }
0xa2: {  	[sflag:s0] =	ssyncadd.tile.s32 @!p0 $0x1;
	_ =	shalt  }
.Lfunc_end2:
_tile_overlayer_lowered:
.L_overlay_start_2:
0xa3: {  	(tag) =	ssettag $0x2  }
0xa4: {  	s0 =	rddreg [dreg:$0x0];
	s2 =	stileid.u32  }
0xa5: {  	s1 =	rddreg [dreg:$0x1];
	p0 =	sne.s32 s2, $0x0  }
0xa6: {  	s3 =	rddreg [dreg:$0x2];
	[bflag:$0x3] =	sbarrier.arrive $0xFFFF;
	s2 =	simm.s32 @!p0 $0x1C03  }
0xa7: {  	[timem:s3], [sflag:s2] =	dma.local @!p0 [hbm:s0], s1  }
0xa8: {  	s0 =	simm.s32 @!p0 $0x3  }
0xa9: {  	_ =	swait.ge @!p0 [sflag:s0], s1  }
0xaa: {  	s1 =	ssub.s32 @!p0 $0x0, s1;
	[sflag:s0] =	ssyncset.done @!p0 $0x0  }
0xab: {  	[sflag:s0] =	ssyncadd.s32 @!p0 s1  }
0xac: {  	[bflag:$0x3] =	sbarrier.arrive $0xFFFF  }
0xad: {  	_ =	shalt  }

</sc_bundles>
